<compile_context>
chip_gen: v7x
topology: tpu7x:2x2x1
jax: 0.10.2.dev20260603
libtpu: 0.0.44.dev20260713+nightly
codegen_flags: <defaults>
</compile_context>

<pallas_src>
import functools
import jax
import jax.numpy as jnp
from jax import lax
from jax.experimental import pallas as pl
from jax.experimental.pallas import tpu as pltpu
from jax.experimental.pallas import tpu_sc as plsc

PCR = (0.0, -39.68, -3.0, 69.12, 39.68, 1.0)
BEV_SIZE = 0.32
BEV_W = int(round((PCR[3] - PCR[0]) / BEV_SIZE))
BEV_H = int(round((PCR[4] - PCR[1]) / BEV_SIZE))

P = 1024
NPAD = 409600
NW = 16
SC_CHUNK = 128
ZROWS = 672
ZREP = 20
CROWS = NW * ZREP * ZROWS
EPS = 1e-3


def _stats1_kernel(x_ref, s_ref, xx_ref):
    @pl.when(pl.program_id(0) == 0)
    def _():
        s_ref[...] = jnp.zeros_like(s_ref)
        xx_ref[...] = jnp.zeros_like(xx_ref)
    x = x_ref[...]
    s_ref[...] += jnp.sum(x, axis=0, keepdims=True)
    xx_ref[...] += lax.dot_general(x, x, (((0,), (0,)), ((), ())),
                                   preferred_element_type=jnp.float32)


def _stats2_kernel(n_real, x_ref, a1_ref, b1_ref, s_ref, hh_ref):
    @pl.when(pl.program_id(0) == 0)
    def _():
        s_ref[...] = jnp.zeros_like(s_ref)
        hh_ref[...] = jnp.zeros_like(hh_ref)
    i = pl.program_id(0)
    h1 = jax.nn.relu(jnp.dot(x_ref[...], a1_ref[...],
                             preferred_element_type=jnp.float32) + b1_ref[...])
    rid = i * P + lax.broadcasted_iota(jnp.int32, (P, 1), 0)
    h1 = jnp.where(rid < n_real, h1, 0.0)
    s_ref[...] += jnp.sum(h1, axis=0, keepdims=True)
    hh_ref[...] += lax.dot_general(h1, h1, (((0,), (0,)), ((), ())),
                                   preferred_element_type=jnp.float32)


def _shift(a, d, fill):
    pad = jnp.full((d, a.shape[1]), fill, a.dtype)
    return jnp.concatenate([pad, a[:-d]], axis=0)


def _fwd_scan_kernel(dump, x_ref, k_ref, a1_ref, b1_ref, a2_ref, b2_ref,
                     ws_ref, bs_ref, val_ref, idx_ref,
                     ck_ref, ct_ref, ce_ref, cm_ref):
    @pl.when(pl.program_id(0) == 0)
    def _():
        ck_ref[...] = jnp.full((1, 1), -1, jnp.int32)
        ct_ref[...] = jnp.zeros_like(ct_ref)
        ce_ref[...] = jnp.zeros_like(ce_ref)
        cm_ref[...] = jnp.zeros_like(cm_ref)

    x = x_ref[...]
    k = k_ref[...]
    h1 = jax.nn.relu(jnp.dot(x, a1_ref[...],
                             preferred_element_type=jnp.float32) + b1_ref[...])
    h2 = jax.nn.relu(jnp.dot(h1, a2_ref[...],
                             preferred_element_type=jnp.float32) + b2_ref[...])
    score = jax.nn.relu(jnp.dot(h2, ws_ref[...],
                                preferred_element_type=jnp.float32) + bs_ref[...])
    e = jnp.exp(score)
    t = h2 * e

    kprev = jnp.concatenate([ck_ref[...], k[:-1]], axis=0)
    same = (k == kprev)
    row0 = lax.broadcasted_iota(jnp.int32, (P, 1), 0) == 0
    seed = row0 & same
    s_t = t + jnp.where(seed, ct_ref[...], 0.0)
    s_e = e + jnp.where(seed, ce_ref[...], 0.0)
    s_m = jnp.where(seed, jnp.maximum(h2, cm_ref[...]), h2)
    g = same.astype(jnp.float32)

    d = 1
    while d < P:
        gs = _shift(g, d, 0.0)
        s_t = s_t + g * _shift(s_t, d, 0.0)
        s_e = s_e + g * _shift(s_e, d, 0.0)
        s_m = jnp.maximum(s_m, jnp.where(g > 0, _shift(s_m, d, 0.0), 0.0))
        g = g * gs
        d *= 2

    tp = jnp.concatenate([ct_ref[...], s_t[:-1]], axis=0)
    ep = jnp.concatenate([ce_ref[...], s_e[:-1]], axis=0)
    mp = jnp.concatenate([cm_ref[...], s_m[:-1]], axis=0)
    emit = jnp.logical_not(same) & (kprev >= 0)
    val = (tp / ep + mp) * 0.5
    val = jnp.concatenate([val, jnp.zeros((P, 64), jnp.float32)], axis=1)
    val_ref[...] = jnp.where(emit, val, 0.0)
    idx_ref[...] = jnp.where(emit, kprev, dump)

    ck_ref[...] = k[P - 1:P]
    ct_ref[...] = s_t[P - 1:P]
    ce_ref[...] = s_e[P - 1:P]
    cm_ref[...] = s_m[P - 1:P]


def _make_sc_scatter():
    mesh = plsc.VectorSubcoreMesh(core_axis_name="c", subcore_axis_name="s",
                                  num_cores=1)
    pts_per_w = NPAD // NW
    n_iter = pts_per_w // SC_CHUNK

    @functools.partial(
        pl.kernel, mesh=mesh,
        out_type=jax.ShapeDtypeStruct((CROWS, 128), jnp.float32),
        scratch_types=[
            pltpu.VMEM((ZROWS, 128), jnp.float32),
            pltpu.VMEM((SC_CHUNK,), jnp.int32),
            pltpu.VMEM((SC_CHUNK, 128), jnp.float32),
            pltpu.SemaphoreType.DMA,
        ],
    )
    def scatter(vals_hbm, idx_hbm, z_hbm, out_hbm, zbuf, idx_v, rows_v, fsem):
        w = lax.axis_index("s")
        pltpu.sync_copy(z_hbm, zbuf)
        zbase = w * (ZREP * ZROWS)
        for j in range(ZREP):
            pltpu.sync_copy(zbuf, out_hbm.at[pl.ds(zbase + j * ZROWS, ZROWS)])
        plsc.subcore_barrier()
        pbase = w * pts_per_w

        def step(i, carry):
            off = pbase + i * SC_CHUNK
            ci = pltpu.async_copy(idx_hbm.at[pl.ds(off, SC_CHUNK)], idx_v, fsem)
            cv = pltpu.async_copy(vals_hbm.at[pl.ds(off, SC_CHUNK)], rows_v,
                                  fsem)
            ci.wait()
            cv.wait()
            pltpu.sync_copy(rows_v, out_hbm.at[idx_v])
            return carry

        lax.fori_loop(0, n_iter, step, 0)

    return scatter


_sc_scatter = _make_sc_scatter()


def kernel(xyz, xyz_batch_cnt, pt_feature, W1, W2, Ws, bs):
    nb = int(xyz_batch_cnt.shape[0])
    n = int(xyz.shape[0])
    m = nb * BEV_W * BEV_H
    dump = m

    batch_id = jnp.repeat(jnp.arange(nb, dtype=jnp.int32), xyz_batch_cnt,
                          total_repeat_length=n)
    xi = jnp.clip(jnp.floor((xyz[:, 0] - PCR[0]) / BEV_SIZE), 0, BEV_W - 1).astype(jnp.int32)
    yi = jnp.clip(jnp.floor((xyz[:, 1] - PCR[1]) / BEV_SIZE), 0, BEV_H - 1).astype(jnp.int32)
    keys = batch_id * (BEV_W * BEV_H) + xi * BEV_H + yi
    cx = (xi.astype(jnp.float32) + 0.5) * BEV_SIZE + PCR[0]
    cy = (yi.astype(jnp.float32) + 0.5) * BEV_SIZE + PCR[1]
    cz = jnp.full_like(cx, 0.5 * (PCR[2] + PCR[5]))
    gf = jnp.concatenate([pt_feature, xyz - jnp.stack([cx, cy, cz], axis=1)],
                         axis=1)

    order = jnp.argsort(keys)
    ks = jnp.concatenate([keys[order],
                          jnp.full((NPAD - n,), dump, jnp.int32)])[:, None]
    xs = jnp.concatenate([gf[order], jnp.zeros((NPAD - n, 8), jnp.float32)])

    grid = NPAD // P
    sum_x, xx = pl.pallas_call(
        _stats1_kernel,
        grid=(grid,),
        in_specs=[pl.BlockSpec((P, 8), lambda i: (i, 0))],
        out_specs=[pl.BlockSpec((1, 8), lambda i: (0, 0)),
                   pl.BlockSpec((8, 8), lambda i: (0, 0))],
        out_shape=[jax.ShapeDtypeStruct((1, 8), jnp.float32),
                   jax.ShapeDtypeStruct((8, 8), jnp.float32)],
    )(xs)

    m1 = (sum_x / n) @ W1
    var1 = jnp.diagonal(W1.T @ (xx / n) @ W1)[None] - m1 * m1
    inv1 = lax.rsqrt(var1 + EPS)
    A1 = W1 * inv1
    b1 = -m1 * inv1

    sum_h, hh = pl.pallas_call(
        functools.partial(_stats2_kernel, n),
        grid=(grid,),
        in_specs=[pl.BlockSpec((P, 8), lambda i: (i, 0)),
                  pl.BlockSpec((8, 32), lambda i: (0, 0)),
                  pl.BlockSpec((1, 32), lambda i: (0, 0))],
        out_specs=[pl.BlockSpec((1, 32), lambda i: (0, 0)),
                   pl.BlockSpec((32, 32), lambda i: (0, 0))],
        out_shape=[jax.ShapeDtypeStruct((1, 32), jnp.float32),
                   jax.ShapeDtypeStruct((32, 32), jnp.float32)],
    )(xs, A1, b1)

    m2 = (sum_h / n) @ W2
    var2 = jnp.diagonal(W2.T @ (hh / n) @ W2)[None] - m2 * m2
    inv2 = lax.rsqrt(var2 + EPS)
    A2 = W2 * inv2
    b2 = -m2 * inv2

    vals, idx = pl.pallas_call(
        functools.partial(_fwd_scan_kernel, dump),
        grid=(grid,),
        in_specs=[pl.BlockSpec((P, 8), lambda i: (i, 0)),
                  pl.BlockSpec((P, 1), lambda i: (i, 0)),
                  pl.BlockSpec((8, 32), lambda i: (0, 0)),
                  pl.BlockSpec((1, 32), lambda i: (0, 0)),
                  pl.BlockSpec((32, 64), lambda i: (0, 0)),
                  pl.BlockSpec((1, 64), lambda i: (0, 0)),
                  pl.BlockSpec((64, 64), lambda i: (0, 0)),
                  pl.BlockSpec((1, 64), lambda i: (0, 0))],
        out_specs=[pl.BlockSpec((P, 128), lambda i: (i, 0)),
                   pl.BlockSpec((P, 1), lambda i: (i, 0))],
        out_shape=[jax.ShapeDtypeStruct((NPAD, 128), jnp.float32),
                   jax.ShapeDtypeStruct((NPAD, 1), jnp.int32)],
        scratch_shapes=[pltpu.VMEM((1, 1), jnp.int32),
                        pltpu.VMEM((1, 64), jnp.float32),
                        pltpu.VMEM((1, 64), jnp.float32),
                        pltpu.VMEM((1, 64), jnp.float32)],
    )(xs, ks, A1, b1, A2, b2, Ws, bs[None, :])

    canvas = _sc_scatter(vals, idx[:, 0],
                         jnp.zeros((ZROWS, 128), jnp.float32))
    return (canvas[:m, :64].reshape(nb, BEV_W * BEV_H, 64)
            .transpose(0, 2, 1).reshape(nb, 64, BEV_W, BEV_H))

# --- scband reference (transcript-rebuilt; emitter-appended) ---
"""Pipeline reference for scband-pillar-max-pooling-dense-223338300086 (READ-ONLY COPY).

The authoritative reference and input builder live on the scoring server;
editing this copy changes nothing except your own understanding.
"""

import jax, jax.numpy as jnp
import numpy as np

PCR = (0.0, -39.68, -3.0, 69.12, 39.68, 1.0)
BEV_SIZE = 0.32
BEV_W = int(round((PCR[3] - PCR[0]) / BEV_SIZE))
BEV_H = int(round((PCR[4] - PCR[1]) / BEV_SIZE))
MLPS = [8, 32, 64]
B = 4
N_PER = 100000


def _xavier(key, fan_in, fan_out):
    std = (2.0 / (fan_in + fan_out)) ** 0.5
    return jax.random.normal(key, (fan_in, fan_out), dtype=jnp.float32) * std


def setup_inputs(seed: int = 0):
    key = jax.random.key(seed)
    ks = jax.random.split(key, 6)
    N = B * N_PER
    u = jax.random.uniform(ks[0], (N, 3), dtype=jnp.float32)
    lo = jnp.array([PCR[0], PCR[1], PCR[2]], dtype=jnp.float32)
    hi = jnp.array([PCR[3], PCR[4], PCR[5]], dtype=jnp.float32)
    xyz = lo + u * (hi - lo)
    xyz_batch_cnt = jnp.full((B,), N_PER, dtype=jnp.int32)
    pt_feature = jax.random.normal(ks[1], (N, 5), dtype=jnp.float32)
    W1 = _xavier(ks[2], MLPS[0], MLPS[1])
    W2 = _xavier(ks[3], MLPS[1], MLPS[2])
    Ws = _xavier(ks[4], MLPS[2], MLPS[2])
    bs = jnp.zeros((MLPS[2],), dtype=jnp.float32)
    return {"xyz": xyz, "xyz_batch_cnt": xyz_batch_cnt, "pt_feature": pt_feature,
            "W1": W1, "W2": W2, "Ws": Ws, "bs": bs}


def _bn(x, eps=1e-3):
    m = jnp.mean(x, axis=0, keepdims=True)
    v = jnp.var(x, axis=0, keepdims=True)
    return (x - m) / jnp.sqrt(v + eps)


def reference(xyz, xyz_batch_cnt, pt_feature, W1, W2, Ws, bs):
    nb = int(xyz_batch_cnt.shape[0])
    batch_id = jnp.repeat(jnp.arange(nb, dtype=jnp.int32), xyz_batch_cnt,
                          total_repeat_length=int(xyz.shape[0]))
    xi = jnp.clip(jnp.floor((xyz[:, 0] - PCR[0]) / BEV_SIZE), 0, BEV_W - 1).astype(jnp.int32)
    yi = jnp.clip(jnp.floor((xyz[:, 1] - PCR[1]) / BEV_SIZE), 0, BEV_H - 1).astype(jnp.int32)
    keys = batch_id * (BEV_W * BEV_H) + xi * BEV_H + yi
    M = nb * BEV_W * BEV_H
    cx = (xi.astype(jnp.float32) + 0.5) * BEV_SIZE + PCR[0]
    cy = (yi.astype(jnp.float32) + 0.5) * BEV_SIZE + PCR[1]
    cz = jnp.full_like(cx, 0.5 * (PCR[2] + PCR[5]))
    centers = jnp.stack([cx, cy, cz], axis=1)
    group_features = jnp.concatenate([pt_feature, xyz - centers], axis=1)
    h = jax.nn.relu(_bn(group_features @ W1))
    h = jax.nn.relu(_bn(h @ W2))
    score = jax.nn.relu(h @ Ws + bs)
    smax = jax.ops.segment_max(score, keys, num_segments=M)
    e = jnp.exp(score - smax[keys])
    ssum = jax.ops.segment_sum(e, keys, num_segments=M)
    attn = e / ssum[keys]
    p1 = jax.ops.segment_sum(h * attn, keys, num_segments=M)
    p2 = jax.ops.segment_max(h, keys, num_segments=M)
    cnt = jax.ops.segment_sum(jnp.ones_like(keys), keys, num_segments=M)
    pillar_features = jnp.where((cnt > 0)[:, None], (p1 + p2) / 2.0,
                                jnp.zeros_like(p1))
    return pillar_features.reshape(nb, BEV_W * BEV_H, MLPS[-1]).transpose(0, 2, 1).reshape(nb, MLPS[-1], BEV_W, BEV_H)

if __name__ == "__main__":
    import jax
    _d = setup_inputs()
    print(jax.jit(kernel)(*tuple(_d.values())))

</pallas_src>

<mosaic_0001>
#map = affine_map<(d0, d1) -> (0, 0)>
#map1 = affine_map<(d0, d1) -> (0)>
module attributes {stable_mosaic.version = 14 : i64} {
  func.func @scatter(%arg0: i32, %arg1: i32, %arg2: memref<409600x128xf32, #tpu.memory_space<hbm>>, %arg3: memref<409600xi32, #tpu.memory_space<hbm>>, %arg4: memref<672x128xf32, #tpu.memory_space<hbm>>, %arg5: memref<215040x128xf32, #tpu.memory_space<hbm>>, %arg6: memref<672x128xf32, #tpu.memory_space<vmem>>, %arg7: memref<128xi32, #tpu.memory_space<vmem>>, %arg8: memref<128x128xf32, #tpu.memory_space<vmem>>, %arg9: memref<!tpu.dma_semaphore, #tpu.memory_space<semaphore_mem>>) attributes {dimension_semantics = [#tpu.dimension_semantics<core_parallel>, #tpu.dimension_semantics<subcore_parallel>], iteration_bounds = array<i64: 1, 16>, scalar_prefetch = 0 : i64, scratch_operands = 4 : i64, tpu.core_type = #tpu.core_type<sc_vector_subcore>, window_params = [{transform_indices = #map}, {transform_indices = #map1}, {transform_indices = #map}, {transform_indices = #map}]} {
    "tpu.region"() ({
      %run_scoped3A = tpu.sem_alloc : memref<!tpu.dma_semaphore, #tpu.memory_space<semaphore_mem>>
      tpu.enqueue_dma source(%arg4 : memref<672x128xf32, #tpu.memory_space<hbm>>) target(%arg6 : memref<672x128xf32, #tpu.memory_space<vmem>>) target_semaphore(%run_scoped3A : memref<!tpu.dma_semaphore, #tpu.memory_space<semaphore_mem>>)
      tpu.wait_dma2 semaphore(%run_scoped3A : memref<!tpu.dma_semaphore, #tpu.memory_space<semaphore_mem>>) src(%arg4 : memref<672x128xf32, #tpu.memory_space<hbm>>) dst(%arg6 : memref<672x128xf32, #tpu.memory_space<vmem>>)
      tpu.yield
    }) : () -> ()
    %mul3A = arith.constant 13440 : i32
    %mul3A_0 = arith.muli %arg1, %mul3A : i32
    %add3A = arith.constant 0 : i32
    %add3A_1 = arith.addi %mul3A_0, %add3A : i32
    "tpu.region"() ({
      %run_scoped3A = tpu.sem_alloc : memref<!tpu.dma_semaphore, #tpu.memory_space<semaphore_mem>>
      %dma_start3A = arith.constant 0 : i32
      %dma_start3A_47 = tpu.memref_slice %arg5[%add3A_1, %dma_start3A] : memref<215040x128xf32, #tpu.memory_space<hbm>> -> memref<672x128xf32, #tpu.memory_space<hbm>>
      %dma_start3A_48 = arith.constant 0 : i32
      %dma_start3A_49 = tpu.memref_slice %arg5[%add3A_1, %dma_start3A_48] : memref<215040x128xf32, #tpu.memory_space<hbm>> -> memref<672x128xf32, #tpu.memory_space<hbm>>
      tpu.enqueue_dma source(%arg6 : memref<672x128xf32, #tpu.memory_space<vmem>>) target(%dma_start3A_49 : memref<672x128xf32, #tpu.memory_space<hbm>>) target_semaphore(%run_scoped3A : memref<!tpu.dma_semaphore, #tpu.memory_space<semaphore_mem>>)
      %dma_wait3A = arith.constant 0 : i32
      %dma_wait3A_50 = tpu.memref_slice %arg5[%add3A_1, %dma_wait3A] : memref<215040x128xf32, #tpu.memory_space<hbm>> -> memref<672x128xf32, #tpu.memory_space<hbm>>
      %dma_wait3A_51 = arith.constant 0 : i32
      %dma_wait3A_52 = tpu.memref_slice %arg5[%add3A_1, %dma_wait3A_51] : memref<215040x128xf32, #tpu.memory_space<hbm>> -> memref<672x128xf32, #tpu.memory_space<hbm>>
      tpu.wait_dma2 semaphore(%run_scoped3A : memref<!tpu.dma_semaphore, #tpu.memory_space<semaphore_mem>>) src(%arg6 : memref<672x128xf32, #tpu.memory_space<vmem>>) dst(%dma_wait3A_52 : memref<672x128xf32, #tpu.memory_space<hbm>>)
      tpu.yield
    }) : () -> ()
    %add3A_2 = arith.constant 672 : i32
    %add3A_3 = arith.addi %mul3A_0, %add3A_2 : i32
    "tpu.region"() ({
      %run_scoped3A = tpu.sem_alloc : memref<!tpu.dma_semaphore, #tpu.memory_space<semaphore_mem>>
      %dma_start3A = arith.constant 0 : i32
      %dma_start3A_47 = tpu.memref_slice %arg5[%add3A_3, %dma_start3A] : memref<215040x128xf32, #tpu.memory_space<hbm>> -> memref<672x128xf32, #tpu.memory_space<hbm>>
      %dma_start3A_48 = arith.constant 0 : i32
      %dma_start3A_49 = tpu.memref_slice %arg5[%add3A_3, %dma_start3A_48] : memref<215040x128xf32, #tpu.memory_space<hbm>> -> memref<672x128xf32, #tpu.memory_space<hbm>>
      tpu.enqueue_dma source(%arg6 : memref<672x128xf32, #tpu.memory_space<vmem>>) target(%dma_start3A_49 : memref<672x128xf32, #tpu.memory_space<hbm>>) target_semaphore(%run_scoped3A : memref<!tpu.dma_semaphore, #tpu.memory_space<semaphore_mem>>)
      %dma_wait3A = arith.constant 0 : i32
      %dma_wait3A_50 = tpu.memref_slice %arg5[%add3A_3, %dma_wait3A] : memref<215040x128xf32, #tpu.memory_space<hbm>> -> memref<672x128xf32, #tpu.memory_space<hbm>>
      %dma_wait3A_51 = arith.constant 0 : i32
      %dma_wait3A_52 = tpu.memref_slice %arg5[%add3A_3, %dma_wait3A_51] : memref<215040x128xf32, #tpu.memory_space<hbm>> -> memref<672x128xf32, #tpu.memory_space<hbm>>
      tpu.wait_dma2 semaphore(%run_scoped3A : memref<!tpu.dma_semaphore, #tpu.memory_space<semaphore_mem>>) src(%arg6 : memref<672x128xf32, #tpu.memory_space<vmem>>) dst(%dma_wait3A_52 : memref<672x128xf32, #tpu.memory_space<hbm>>)
      tpu.yield
    }) : () -> ()
    %add3A_4 = arith.constant 1344 : i32
    %add3A_5 = arith.addi %mul3A_0, %add3A_4 : i32
    "tpu.region"() ({
      %run_scoped3A = tpu.sem_alloc : memref<!tpu.dma_semaphore, #tpu.memory_space<semaphore_mem>>
      %dma_start3A = arith.constant 0 : i32
      %dma_start3A_47 = tpu.memref_slice %arg5[%add3A_5, %dma_start3A] : memref<215040x128xf32, #tpu.memory_space<hbm>> -> memref<672x128xf32, #tpu.memory_space<hbm>>
      %dma_start3A_48 = arith.constant 0 : i32
      %dma_start3A_49 = tpu.memref_slice %arg5[%add3A_5, %dma_start3A_48] : memref<215040x128xf32, #tpu.memory_space<hbm>> -> memref<672x128xf32, #tpu.memory_space<hbm>>
      tpu.enqueue_dma source(%arg6 : memref<672x128xf32, #tpu.memory_space<vmem>>) target(%dma_start3A_49 : memref<672x128xf32, #tpu.memory_space<hbm>>) target_semaphore(%run_scoped3A : memref<!tpu.dma_semaphore, #tpu.memory_space<semaphore_mem>>)
      %dma_wait3A = arith.constant 0 : i32
      %dma_wait3A_50 = tpu.memref_slice %arg5[%add3A_5, %dma_wait3A] : memref<215040x128xf32, #tpu.memory_space<hbm>> -> memref<672x128xf32, #tpu.memory_space<hbm>>
      %dma_wait3A_51 = arith.constant 0 : i32
      %dma_wait3A_52 = tpu.memref_slice %arg5[%add3A_5, %dma_wait3A_51] : memref<215040x128xf32, #tpu.memory_space<hbm>> -> memref<672x128xf32, #tpu.memory_space<hbm>>
      tpu.wait_dma2 semaphore(%run_scoped3A : memref<!tpu.dma_semaphore, #tpu.memory_space<semaphore_mem>>) src(%arg6 : memref<672x128xf32, #tpu.memory_space<vmem>>) dst(%dma_wait3A_52 : memref<672x128xf32, #tpu.memory_space<hbm>>)
      tpu.yield
    }) : () -> ()
    %add3A_6 = arith.constant 2016 : i32
    %add3A_7 = arith.addi %mul3A_0, %add3A_6 : i32
    "tpu.region"() ({
      %run_scoped3A = tpu.sem_alloc : memref<!tpu.dma_semaphore, #tpu.memory_space<semaphore_mem>>
      %dma_start3A = arith.constant 0 : i32
      %dma_start3A_47 = tpu.memref_slice %arg5[%add3A_7, %dma_start3A] : memref<215040x128xf32, #tpu.memory_space<hbm>> -> memref<672x128xf32, #tpu.memory_space<hbm>>
      %dma_start3A_48 = arith.constant 0 : i32
      %dma_start3A_49 = tpu.memref_slice %arg5[%add3A_7, %dma_start3A_48] : memref<215040x128xf32, #tpu.memory_space<hbm>> -> memref<672x128xf32, #tpu.memory_space<hbm>>
      tpu.enqueue_dma source(%arg6 : memref<672x128xf32, #tpu.memory_space<vmem>>) target(%dma_start3A_49 : memref<672x128xf32, #tpu.memory_space<hbm>>) target_semaphore(%run_scoped3A : memref<!tpu.dma_semaphore, #tpu.memory_space<semaphore_mem>>)
      %dma_wait3A = arith.constant 0 : i32
      %dma_wait3A_50 = tpu.memref_slice %arg5[%add3A_7, %dma_wait3A] : memref<215040x128xf32, #tpu.memory_space<hbm>> -> memref<672x128xf32, #tpu.memory_space<hbm>>
      %dma_wait3A_51 = arith.constant 0 : i32
      %dma_wait3A_52 = tpu.memref_slice %arg5[%add3A_7, %dma_wait3A_51] : memref<215040x128xf32, #tpu.memory_space<hbm>> -> memref<672x128xf32, #tpu.memory_space<hbm>>
      tpu.wait_dma2 semaphore(%run_scoped3A : memref<!tpu.dma_semaphore, #tpu.memory_space<semaphore_mem>>) src(%arg6 : memref<672x128xf32, #tpu.memory_space<vmem>>) dst(%dma_wait3A_52 : memref<672x128xf32, #tpu.memory_space<hbm>>)
      tpu.yield
    }) : () -> ()
    %add3A_8 = arith.constant 2688 : i32
    %add3A_9 = arith.addi %mul3A_0, %add3A_8 : i32
    "tpu.region"() ({
      %run_scoped3A = tpu.sem_alloc : memref<!tpu.dma_semaphore, #tpu.memory_space<semaphore_mem>>
      %dma_start3A = arith.constant 0 : i32
      %dma_start3A_47 = tpu.memref_slice %arg5[%add3A_9, %dma_start3A] : memref<215040x128xf32, #tpu.memory_space<hbm>> -> memref<672x128xf32, #tpu.memory_space<hbm>>
      %dma_start3A_48 = arith.constant 0 : i32
      %dma_start3A_49 = tpu.memref_slice %arg5[%add3A_9, %dma_start3A_48] : memref<215040x128xf32, #tpu.memory_space<hbm>> -> memref<672x128xf32, #tpu.memory_space<hbm>>
      tpu.enqueue_dma source(%arg6 : memref<672x128xf32, #tpu.memory_space<vmem>>) target(%dma_start3A_49 : memref<672x128xf32, #tpu.memory_space<hbm>>) target_semaphore(%run_scoped3A : memref<!tpu.dma_semaphore, #tpu.memory_space<semaphore_mem>>)
      %dma_wait3A = arith.constant 0 : i32
      %dma_wait3A_50 = tpu.memref_slice %arg5[%add3A_9, %dma_wait3A] : memref<215040x128xf32, #tpu.memory_space<hbm>> -> memref<672x128xf32, #tpu.memory_space<hbm>>
      %dma_wait3A_51 = arith.constant 0 : i32
      %dma_wait3A_52 = tpu.memref_slice %arg5[%add3A_9, %dma_wait3A_51] : memref<215040x128xf32, #tpu.memory_space<hbm>> -> memref<672x128xf32, #tpu.memory_space<hbm>>
      tpu.wait_dma2 semaphore(%run_scoped3A : memref<!tpu.dma_semaphore, #tpu.memory_space<semaphore_mem>>) src(%arg6 : memref<672x128xf32, #tpu.memory_space<vmem>>) dst(%dma_wait3A_52 : memref<672x128xf32, #tpu.memory_space<hbm>>)
      tpu.yield
    }) : () -> ()
    %add3A_10 = arith.constant 3360 : i32
    %add3A_11 = arith.addi %mul3A_0, %add3A_10 : i32
    "tpu.region"() ({
      %run_scoped3A = tpu.sem_alloc : memref<!tpu.dma_semaphore, #tpu.memory_space<semaphore_mem>>
      %dma_start3A = arith.constant 0 : i32
      %dma_start3A_47 = tpu.memref_slice %arg5[%add3A_11, %dma_start3A] : memref<215040x128xf32, #tpu.memory_space<hbm>> -> memref<672x128xf32, #tpu.memory_space<hbm>>
      %dma_start3A_48 = arith.constant 0 : i32
      %dma_start3A_49 = tpu.memref_slice %arg5[%add3A_11, %dma_start3A_48] : memref<215040x128xf32, #tpu.memory_space<hbm>> -> memref<672x128xf32, #tpu.memory_space<hbm>>
      tpu.enqueue_dma source(%arg6 : memref<672x128xf32, #tpu.memory_space<vmem>>) target(%dma_start3A_49 : memref<672x128xf32, #tpu.memory_space<hbm>>) target_semaphore(%run_scoped3A : memref<!tpu.dma_semaphore, #tpu.memory_space<semaphore_mem>>)
      %dma_wait3A = arith.constant 0 : i32
      %dma_wait3A_50 = tpu.memref_slice %arg5[%add3A_11, %dma_wait3A] : memref<215040x128xf32, #tpu.memory_space<hbm>> -> memref<672x128xf32, #tpu.memory_space<hbm>>
      %dma_wait3A_51 = arith.constant 0 : i32
      %dma_wait3A_52 = tpu.memref_slice %arg5[%add3A_11, %dma_wait3A_51] : memref<215040x128xf32, #tpu.memory_space<hbm>> -> memref<672x128xf32, #tpu.memory_space<hbm>>
      tpu.wait_dma2 semaphore(%run_scoped3A : memref<!tpu.dma_semaphore, #tpu.memory_space<semaphore_mem>>) src(%arg6 : memref<672x128xf32, #tpu.memory_space<vmem>>) dst(%dma_wait3A_52 : memref<672x128xf32, #tpu.memory_space<hbm>>)
      tpu.yield
    }) : () -> ()
    %add3A_12 = arith.constant 4032 : i32
    %add3A_13 = arith.addi %mul3A_0, %add3A_12 : i32
    "tpu.region"() ({
      %run_scoped3A = tpu.sem_alloc : memref<!tpu.dma_semaphore, #tpu.memory_space<semaphore_mem>>
      %dma_start3A = arith.constant 0 : i32
      %dma_start3A_47 = tpu.memref_slice %arg5[%add3A_13, %dma_start3A] : memref<215040x128xf32, #tpu.memory_space<hbm>> -> memref<672x128xf32, #tpu.memory_space<hbm>>
      %dma_start3A_48 = arith.constant 0 : i32
      %dma_start3A_49 = tpu.memref_slice %arg5[%add3A_13, %dma_start3A_48] : memref<215040x128xf32, #tpu.memory_space<hbm>> -> memref<672x128xf32, #tpu.memory_space<hbm>>
      tpu.enqueue_dma source(%arg6 : memref<672x128xf32, #tpu.memory_space<vmem>>) target(%dma_start3A_49 : memref<672x128xf32, #tpu.memory_space<hbm>>) target_semaphore(%run_scoped3A : memref<!tpu.dma_semaphore, #tpu.memory_space<semaphore_mem>>)
      %dma_wait3A = arith.constant 0 : i32
      %dma_wait3A_50 = tpu.memref_slice %arg5[%add3A_13, %dma_wait3A] : memref<215040x128xf32, #tpu.memory_space<hbm>> -> memref<672x128xf32, #tpu.memory_space<hbm>>
      %dma_wait3A_51 = arith.constant 0 : i32
      %dma_wait3A_52 = tpu.memref_slice %arg5[%add3A_13, %dma_wait3A_51] : memref<215040x128xf32, #tpu.memory_space<hbm>> -> memref<672x128xf32, #tpu.memory_space<hbm>>
      tpu.wait_dma2 semaphore(%run_scoped3A : memref<!tpu.dma_semaphore, #tpu.memory_space<semaphore_mem>>) src(%arg6 : memref<672x128xf32, #tpu.memory_space<vmem>>) dst(%dma_wait3A_52 : memref<672x128xf32, #tpu.memory_space<hbm>>)
      tpu.yield
    }) : () -> ()
    %add3A_14 = arith.constant 4704 : i32
    %add3A_15 = arith.addi %mul3A_0, %add3A_14 : i32
    "tpu.region"() ({
      %run_scoped3A = tpu.sem_alloc : memref<!tpu.dma_semaphore, #tpu.memory_space<semaphore_mem>>
      %dma_start3A = arith.constant 0 : i32
      %dma_start3A_47 = tpu.memref_slice %arg5[%add3A_15, %dma_start3A] : memref<215040x128xf32, #tpu.memory_space<hbm>> -> memref<672x128xf32, #tpu.memory_space<hbm>>
      %dma_start3A_48 = arith.constant 0 : i32
      %dma_start3A_49 = tpu.memref_slice %arg5[%add3A_15, %dma_start3A_48] : memref<215040x128xf32, #tpu.memory_space<hbm>> -> memref<672x128xf32, #tpu.memory_space<hbm>>
      tpu.enqueue_dma source(%arg6 : memref<672x128xf32, #tpu.memory_space<vmem>>) target(%dma_start3A_49 : memref<672x128xf32, #tpu.memory_space<hbm>>) target_semaphore(%run_scoped3A : memref<!tpu.dma_semaphore, #tpu.memory_space<semaphore_mem>>)
      %dma_wait3A = arith.constant 0 : i32
      %dma_wait3A_50 = tpu.memref_slice %arg5[%add3A_15, %dma_wait3A] : memref<215040x128xf32, #tpu.memory_space<hbm>> -> memref<672x128xf32, #tpu.memory_space<hbm>>
      %dma_wait3A_51 = arith.constant 0 : i32
      %dma_wait3A_52 = tpu.memref_slice %arg5[%add3A_15, %dma_wait3A_51] : memref<215040x128xf32, #tpu.memory_space<hbm>> -> memref<672x128xf32, #tpu.memory_space<hbm>>
      tpu.wait_dma2 semaphore(%run_scoped3A : memref<!tpu.dma_semaphore, #tpu.memory_space<semaphore_mem>>) src(%arg6 : memref<672x128xf32, #tpu.memory_space<vmem>>) dst(%dma_wait3A_52 : memref<672x128xf32, #tpu.memory_space<hbm>>)
      tpu.yield
    }) : () -> ()
    %add3A_16 = arith.constant 5376 : i32
    %add3A_17 = arith.addi %mul3A_0, %add3A_16 : i32
    "tpu.region"() ({
      %run_scoped3A = tpu.sem_alloc : memref<!tpu.dma_semaphore, #tpu.memory_space<semaphore_mem>>
      %dma_start3A = arith.constant 0 : i32
      %dma_start3A_47 = tpu.memref_slice %arg5[%add3A_17, %dma_start3A] : memref<215040x128xf32, #tpu.memory_space<hbm>> -> memref<672x128xf32, #tpu.memory_space<hbm>>
      %dma_start3A_48 = arith.constant 0 : i32
      %dma_start3A_49 = tpu.memref_slice %arg5[%add3A_17, %dma_start3A_48] : memref<215040x128xf32, #tpu.memory_space<hbm>> -> memref<672x128xf32, #tpu.memory_space<hbm>>
      tpu.enqueue_dma source(%arg6 : memref<672x128xf32, #tpu.memory_space<vmem>>) target(%dma_start3A_49 : memref<672x128xf32, #tpu.memory_space<hbm>>) target_semaphore(%run_scoped3A : memref<!tpu.dma_semaphore, #tpu.memory_space<semaphore_mem>>)
      %dma_wait3A = arith.constant 0 : i32
      %dma_wait3A_50 = tpu.memref_slice %arg5[%add3A_17, %dma_wait3A] : memref<215040x128xf32, #tpu.memory_space<hbm>> -> memref<672x128xf32, #tpu.memory_space<hbm>>
      %dma_wait3A_51 = arith.constant 0 : i32
      %dma_wait3A_52 = tpu.memref_slice %arg5[%add3A_17, %dma_wait3A_51] : memref<215040x128xf32, #tpu.memory_space<hbm>> -> memref<672x128xf32, #tpu.memory_space<hbm>>
      tpu.wait_dma2 semaphore(%run_scoped3A : memref<!tpu.dma_semaphore, #tpu.memory_space<semaphore_mem>>) src(%arg6 : memref<672x128xf32, #tpu.memory_space<vmem>>) dst(%dma_wait3A_52 : memref<672x128xf32, #tpu.memory_space<hbm>>)
      tpu.yield
    }) : () -> ()
    %add3A_18 = arith.constant 6048 : i32
    %add3A_19 = arith.addi %mul3A_0, %add3A_18 : i32
    "tpu.region"() ({
      %run_scoped3A = tpu.sem_alloc : memref<!tpu.dma_semaphore, #tpu.memory_space<semaphore_mem>>
      %dma_start3A = arith.constant 0 : i32
      %dma_start3A_47 = tpu.memref_slice %arg5[%add3A_19, %dma_start3A] : memref<215040x128xf32, #tpu.memory_space<hbm>> -> memref<672x128xf32, #tpu.memory_space<hbm>>
      %dma_start3A_48 = arith.constant 0 : i32
      %dma_start3A_49 = tpu.memref_slice %arg5[%add3A_19, %dma_start3A_48] : memref<215040x128xf32, #tpu.memory_space<hbm>> -> memref<672x128xf32, #tpu.memory_space<hbm>>
      tpu.enqueue_dma source(%arg6 : memref<672x128xf32, #tpu.memory_space<vmem>>) target(%dma_start3A_49 : memref<672x128xf32, #tpu.memory_space<hbm>>) target_semaphore(%run_scoped3A : memref<!tpu.dma_semaphore, #tpu.memory_space<semaphore_mem>>)
      %dma_wait3A = arith.constant 0 : i32
      %dma_wait3A_50 = tpu.memref_slice %arg5[%add3A_19, %dma_wait3A] : memref<215040x128xf32, #tpu.memory_space<hbm>> -> memref<672x128xf32, #tpu.memory_space<hbm>>
      %dma_wait3A_51 = arith.constant 0 : i32
      %dma_wait3A_52 = tpu.memref_slice %arg5[%add3A_19, %dma_wait3A_51] : memref<215040x128xf32, #tpu.memory_space<hbm>> -> memref<672x128xf32, #tpu.memory_space<hbm>>
      tpu.wait_dma2 semaphore(%run_scoped3A : memref<!tpu.dma_semaphore, #tpu.memory_space<semaphore_mem>>) src(%arg6 : memref<672x128xf32, #tpu.memory_space<vmem>>) dst(%dma_wait3A_52 : memref<672x128xf32, #tpu.memory_space<hbm>>)
      tpu.yield
    }) : () -> ()
    %add3A_20 = arith.constant 6720 : i32
    %add3A_21 = arith.addi %mul3A_0, %add3A_20 : i32
    "tpu.region"() ({
      %run_scoped3A = tpu.sem_alloc : memref<!tpu.dma_semaphore, #tpu.memory_space<semaphore_mem>>
      %dma_start3A = arith.constant 0 : i32
      %dma_start3A_47 = tpu.memref_slice %arg5[%add3A_21, %dma_start3A] : memref<215040x128xf32, #tpu.memory_space<hbm>> -> memref<672x128xf32, #tpu.memory_space<hbm>>
      %dma_start3A_48 = arith.constant 0 : i32
      %dma_start3A_49 = tpu.memref_slice %arg5[%add3A_21, %dma_start3A_48] : memref<215040x128xf32, #tpu.memory_space<hbm>> -> memref<672x128xf32, #tpu.memory_space<hbm>>
      tpu.enqueue_dma source(%arg6 : memref<672x128xf32, #tpu.memory_space<vmem>>) target(%dma_start3A_49 : memref<672x128xf32, #tpu.memory_space<hbm>>) target_semaphore(%run_scoped3A : memref<!tpu.dma_semaphore, #tpu.memory_space<semaphore_mem>>)
      %dma_wait3A = arith.constant 0 : i32
      %dma_wait3A_50 = tpu.memref_slice %arg5[%add3A_21, %dma_wait3A] : memref<215040x128xf32, #tpu.memory_space<hbm>> -> memref<672x128xf32, #tpu.memory_space<hbm>>
      %dma_wait3A_51 = arith.constant 0 : i32
      %dma_wait3A_52 = tpu.memref_slice %arg5[%add3A_21, %dma_wait3A_51] : memref<215040x128xf32, #tpu.memory_space<hbm>> -> memref<672x128xf32, #tpu.memory_space<hbm>>
      tpu.wait_dma2 semaphore(%run_scoped3A : memref<!tpu.dma_semaphore, #tpu.memory_space<semaphore_mem>>) src(%arg6 : memref<672x128xf32, #tpu.memory_space<vmem>>) dst(%dma_wait3A_52 : memref<672x128xf32, #tpu.memory_space<hbm>>)
      tpu.yield
    }) : () -> ()
    %add3A_22 = arith.constant 7392 : i32
    %add3A_23 = arith.addi %mul3A_0, %add3A_22 : i32
    "tpu.region"() ({
      %run_scoped3A = tpu.sem_alloc : memref<!tpu.dma_semaphore, #tpu.memory_space<semaphore_mem>>
      %dma_start3A = arith.constant 0 : i32
      %dma_start3A_47 = tpu.memref_slice %arg5[%add3A_23, %dma_start3A] : memref<215040x128xf32, #tpu.memory_space<hbm>> -> memref<672x128xf32, #tpu.memory_space<hbm>>
      %dma_start3A_48 = arith.constant 0 : i32
      %dma_start3A_49 = tpu.memref_slice %arg5[%add3A_23, %dma_start3A_48] : memref<215040x128xf32, #tpu.memory_space<hbm>> -> memref<672x128xf32, #tpu.memory_space<hbm>>
      tpu.enqueue_dma source(%arg6 : memref<672x128xf32, #tpu.memory_space<vmem>>) target(%dma_start3A_49 : memref<672x128xf32, #tpu.memory_space<hbm>>) target_semaphore(%run_scoped3A : memref<!tpu.dma_semaphore, #tpu.memory_space<semaphore_mem>>)
      %dma_wait3A = arith.constant 0 : i32
      %dma_wait3A_50 = tpu.memref_slice %arg5[%add3A_23, %dma_wait3A] : memref<215040x128xf32, #tpu.memory_space<hbm>> -> memref<672x128xf32, #tpu.memory_space<hbm>>
      %dma_wait3A_51 = arith.constant 0 : i32
      %dma_wait3A_52 = tpu.memref_slice %arg5[%add3A_23, %dma_wait3A_51] : memref<215040x128xf32, #tpu.memory_space<hbm>> -> memref<672x128xf32, #tpu.memory_space<hbm>>
      tpu.wait_dma2 semaphore(%run_scoped3A : memref<!tpu.dma_semaphore, #tpu.memory_space<semaphore_mem>>) src(%arg6 : memref<672x128xf32, #tpu.memory_space<vmem>>) dst(%dma_wait3A_52 : memref<672x128xf32, #tpu.memory_space<hbm>>)
      tpu.yield
    }) : () -> ()
    %add3A_24 = arith.constant 8064 : i32
    %add3A_25 = arith.addi %mul3A_0, %add3A_24 : i32
    "tpu.region"() ({
      %run_scoped3A = tpu.sem_alloc : memref<!tpu.dma_semaphore, #tpu.memory_space<semaphore_mem>>
      %dma_start3A = arith.constant 0 : i32
      %dma_start3A_47 = tpu.memref_slice %arg5[%add3A_25, %dma_start3A] : memref<215040x128xf32, #tpu.memory_space<hbm>> -> memref<672x128xf32, #tpu.memory_space<hbm>>
      %dma_start3A_48 = arith.constant 0 : i32
      %dma_start3A_49 = tpu.memref_slice %arg5[%add3A_25, %dma_start3A_48] : memref<215040x128xf32, #tpu.memory_space<hbm>> -> memref<672x128xf32, #tpu.memory_space<hbm>>
      tpu.enqueue_dma source(%arg6 : memref<672x128xf32, #tpu.memory_space<vmem>>) target(%dma_start3A_49 : memref<672x128xf32, #tpu.memory_space<hbm>>) target_semaphore(%run_scoped3A : memref<!tpu.dma_semaphore, #tpu.memory_space<semaphore_mem>>)
      %dma_wait3A = arith.constant 0 : i32
      %dma_wait3A_50 = tpu.memref_slice %arg5[%add3A_25, %dma_wait3A] : memref<215040x128xf32, #tpu.memory_space<hbm>> -> memref<672x128xf32, #tpu.memory_space<hbm>>
      %dma_wait3A_51 = arith.constant 0 : i32
      %dma_wait3A_52 = tpu.memref_slice %arg5[%add3A_25, %dma_wait3A_51] : memref<215040x128xf32, #tpu.memory_space<hbm>> -> memref<672x128xf32, #tpu.memory_space<hbm>>
      tpu.wait_dma2 semaphore(%run_scoped3A : memref<!tpu.dma_semaphore, #tpu.memory_space<semaphore_mem>>) src(%arg6 : memref<672x128xf32, #tpu.memory_space<vmem>>) dst(%dma_wait3A_52 : memref<672x128xf32, #tpu.memory_space<hbm>>)
      tpu.yield
    }) : () -> ()
    %add3A_26 = arith.constant 8736 : i32
    %add3A_27 = arith.addi %mul3A_0, %add3A_26 : i32
    "tpu.region"() ({
      %run_scoped3A = tpu.sem_alloc : memref<!tpu.dma_semaphore, #tpu.memory_space<semaphore_mem>>
      %dma_start3A = arith.constant 0 : i32
      %dma_start3A_47 = tpu.memref_slice %arg5[%add3A_27, %dma_start3A] : memref<215040x128xf32, #tpu.memory_space<hbm>> -> memref<672x128xf32, #tpu.memory_space<hbm>>
      %dma_start3A_48 = arith.constant 0 : i32
      %dma_start3A_49 = tpu.memref_slice %arg5[%add3A_27, %dma_start3A_48] : memref<215040x128xf32, #tpu.memory_space<hbm>> -> memref<672x128xf32, #tpu.memory_space<hbm>>
      tpu.enqueue_dma source(%arg6 : memref<672x128xf32, #tpu.memory_space<vmem>>) target(%dma_start3A_49 : memref<672x128xf32, #tpu.memory_space<hbm>>) target_semaphore(%run_scoped3A : memref<!tpu.dma_semaphore, #tpu.memory_space<semaphore_mem>>)
      %dma_wait3A = arith.constant 0 : i32
      %dma_wait3A_50 = tpu.memref_slice %arg5[%add3A_27, %dma_wait3A] : memref<215040x128xf32, #tpu.memory_space<hbm>> -> memref<672x128xf32, #tpu.memory_space<hbm>>
      %dma_wait3A_51 = arith.constant 0 : i32
      %dma_wait3A_52 = tpu.memref_slice %arg5[%add3A_27, %dma_wait3A_51] : memref<215040x128xf32, #tpu.memory_space<hbm>> -> memref<672x128xf32, #tpu.memory_space<hbm>>
      tpu.wait_dma2 semaphore(%run_scoped3A : memref<!tpu.dma_semaphore, #tpu.memory_space<semaphore_mem>>) src(%arg6 : memref<672x128xf32, #tpu.memory_space<vmem>>) dst(%dma_wait3A_52 : memref<672x128xf32, #tpu.memory_space<hbm>>)
      tpu.yield
    }) : () -> ()
    %add3A_28 = arith.constant 9408 : i32
    %add3A_29 = arith.addi %mul3A_0, %add3A_28 : i32
    "tpu.region"() ({
      %run_scoped3A = tpu.sem_alloc : memref<!tpu.dma_semaphore, #tpu.memory_space<semaphore_mem>>
      %dma_start3A = arith.constant 0 : i32
      %dma_start3A_47 = tpu.memref_slice %arg5[%add3A_29, %dma_start3A] : memref<215040x128xf32, #tpu.memory_space<hbm>> -> memref<672x128xf32, #tpu.memory_space<hbm>>
      %dma_start3A_48 = arith.constant 0 : i32
      %dma_start3A_49 = tpu.memref_slice %arg5[%add3A_29, %dma_start3A_48] : memref<215040x128xf32, #tpu.memory_space<hbm>> -> memref<672x128xf32, #tpu.memory_space<hbm>>
      tpu.enqueue_dma source(%arg6 : memref<672x128xf32, #tpu.memory_space<vmem>>) target(%dma_start3A_49 : memref<672x128xf32, #tpu.memory_space<hbm>>) target_semaphore(%run_scoped3A : memref<!tpu.dma_semaphore, #tpu.memory_space<semaphore_mem>>)
      %dma_wait3A = arith.constant 0 : i32
      %dma_wait3A_50 = tpu.memref_slice %arg5[%add3A_29, %dma_wait3A] : memref<215040x128xf32, #tpu.memory_space<hbm>> -> memref<672x128xf32, #tpu.memory_space<hbm>>
      %dma_wait3A_51 = arith.constant 0 : i32
      %dma_wait3A_52 = tpu.memref_slice %arg5[%add3A_29, %dma_wait3A_51] : memref<215040x128xf32, #tpu.memory_space<hbm>> -> memref<672x128xf32, #tpu.memory_space<hbm>>
      tpu.wait_dma2 semaphore(%run_scoped3A : memref<!tpu.dma_semaphore, #tpu.memory_space<semaphore_mem>>) src(%arg6 : memref<672x128xf32, #tpu.memory_space<vmem>>) dst(%dma_wait3A_52 : memref<672x128xf32, #tpu.memory_space<hbm>>)
      tpu.yield
    }) : () -> ()
    %add3A_30 = arith.constant 10080 : i32
    %add3A_31 = arith.addi %mul3A_0, %add3A_30 : i32
    "tpu.region"() ({
      %run_scoped3A = tpu.sem_alloc : memref<!tpu.dma_semaphore, #tpu.memory_space<semaphore_mem>>
      %dma_start3A = arith.constant 0 : i32
      %dma_start3A_47 = tpu.memref_slice %arg5[%add3A_31, %dma_start3A] : memref<215040x128xf32, #tpu.memory_space<hbm>> -> memref<672x128xf32, #tpu.memory_space<hbm>>
      %dma_start3A_48 = arith.constant 0 : i32
      %dma_start3A_49 = tpu.memref_slice %arg5[%add3A_31, %dma_start3A_48] : memref<215040x128xf32, #tpu.memory_space<hbm>> -> memref<672x128xf32, #tpu.memory_space<hbm>>
      tpu.enqueue_dma source(%arg6 : memref<672x128xf32, #tpu.memory_space<vmem>>) target(%dma_start3A_49 : memref<672x128xf32, #tpu.memory_space<hbm>>) target_semaphore(%run_scoped3A : memref<!tpu.dma_semaphore, #tpu.memory_space<semaphore_mem>>)
      %dma_wait3A = arith.constant 0 : i32
      %dma_wait3A_50 = tpu.memref_slice %arg5[%add3A_31, %dma_wait3A] : memref<215040x128xf32, #tpu.memory_space<hbm>> -> memref<672x128xf32, #tpu.memory_space<hbm>>
      %dma_wait3A_51 = arith.constant 0 : i32
      %dma_wait3A_52 = tpu.memref_slice %arg5[%add3A_31, %dma_wait3A_51] : memref<215040x128xf32, #tpu.memory_space<hbm>> -> memref<672x128xf32, #tpu.memory_space<hbm>>
      tpu.wait_dma2 semaphore(%run_scoped3A : memref<!tpu.dma_semaphore, #tpu.memory_space<semaphore_mem>>) src(%arg6 : memref<672x128xf32, #tpu.memory_space<vmem>>) dst(%dma_wait3A_52 : memref<672x128xf32, #tpu.memory_space<hbm>>)
      tpu.yield
    }) : () -> ()
    %add3A_32 = arith.constant 10752 : i32
    %add3A_33 = arith.addi %mul3A_0, %add3A_32 : i32
    "tpu.region"() ({
      %run_scoped3A = tpu.sem_alloc : memref<!tpu.dma_semaphore, #tpu.memory_space<semaphore_mem>>
      %dma_start3A = arith.constant 0 : i32
      %dma_start3A_47 = tpu.memref_slice %arg5[%add3A_33, %dma_start3A] : memref<215040x128xf32, #tpu.memory_space<hbm>> -> memref<672x128xf32, #tpu.memory_space<hbm>>
      %dma_start3A_48 = arith.constant 0 : i32
      %dma_start3A_49 = tpu.memref_slice %arg5[%add3A_33, %dma_start3A_48] : memref<215040x128xf32, #tpu.memory_space<hbm>> -> memref<672x128xf32, #tpu.memory_space<hbm>>
      tpu.enqueue_dma source(%arg6 : memref<672x128xf32, #tpu.memory_space<vmem>>) target(%dma_start3A_49 : memref<672x128xf32, #tpu.memory_space<hbm>>) target_semaphore(%run_scoped3A : memref<!tpu.dma_semaphore, #tpu.memory_space<semaphore_mem>>)
      %dma_wait3A = arith.constant 0 : i32
      %dma_wait3A_50 = tpu.memref_slice %arg5[%add3A_33, %dma_wait3A] : memref<215040x128xf32, #tpu.memory_space<hbm>> -> memref<672x128xf32, #tpu.memory_space<hbm>>
      %dma_wait3A_51 = arith.constant 0 : i32
      %dma_wait3A_52 = tpu.memref_slice %arg5[%add3A_33, %dma_wait3A_51] : memref<215040x128xf32, #tpu.memory_space<hbm>> -> memref<672x128xf32, #tpu.memory_space<hbm>>
      tpu.wait_dma2 semaphore(%run_scoped3A : memref<!tpu.dma_semaphore, #tpu.memory_space<semaphore_mem>>) src(%arg6 : memref<672x128xf32, #tpu.memory_space<vmem>>) dst(%dma_wait3A_52 : memref<672x128xf32, #tpu.memory_space<hbm>>)
      tpu.yield
    }) : () -> ()
    %add3A_34 = arith.constant 11424 : i32
    %add3A_35 = arith.addi %mul3A_0, %add3A_34 : i32
    "tpu.region"() ({
      %run_scoped3A = tpu.sem_alloc : memref<!tpu.dma_semaphore, #tpu.memory_space<semaphore_mem>>
      %dma_start3A = arith.constant 0 : i32
      %dma_start3A_47 = tpu.memref_slice %arg5[%add3A_35, %dma_start3A] : memref<215040x128xf32, #tpu.memory_space<hbm>> -> memref<672x128xf32, #tpu.memory_space<hbm>>
      %dma_start3A_48 = arith.constant 0 : i32
      %dma_start3A_49 = tpu.memref_slice %arg5[%add3A_35, %dma_start3A_48] : memref<215040x128xf32, #tpu.memory_space<hbm>> -> memref<672x128xf32, #tpu.memory_space<hbm>>
      tpu.enqueue_dma source(%arg6 : memref<672x128xf32, #tpu.memory_space<vmem>>) target(%dma_start3A_49 : memref<672x128xf32, #tpu.memory_space<hbm>>) target_semaphore(%run_scoped3A : memref<!tpu.dma_semaphore, #tpu.memory_space<semaphore_mem>>)
      %dma_wait3A = arith.constant 0 : i32
      %dma_wait3A_50 = tpu.memref_slice %arg5[%add3A_35, %dma_wait3A] : memref<215040x128xf32, #tpu.memory_space<hbm>> -> memref<672x128xf32, #tpu.memory_space<hbm>>
      %dma_wait3A_51 = arith.constant 0 : i32
      %dma_wait3A_52 = tpu.memref_slice %arg5[%add3A_35, %dma_wait3A_51] : memref<215040x128xf32, #tpu.memory_space<hbm>> -> memref<672x128xf32, #tpu.memory_space<hbm>>
      tpu.wait_dma2 semaphore(%run_scoped3A : memref<!tpu.dma_semaphore, #tpu.memory_space<semaphore_mem>>) src(%arg6 : memref<672x128xf32, #tpu.memory_space<vmem>>) dst(%dma_wait3A_52 : memref<672x128xf32, #tpu.memory_space<hbm>>)
      tpu.yield
    }) : () -> ()
    %add3A_36 = arith.constant 12096 : i32
    %add3A_37 = arith.addi %mul3A_0, %add3A_36 : i32
    "tpu.region"() ({
      %run_scoped3A = tpu.sem_alloc : memref<!tpu.dma_semaphore, #tpu.memory_space<semaphore_mem>>
      %dma_start3A = arith.constant 0 : i32
      %dma_start3A_47 = tpu.memref_slice %arg5[%add3A_37, %dma_start3A] : memref<215040x128xf32, #tpu.memory_space<hbm>> -> memref<672x128xf32, #tpu.memory_space<hbm>>
      %dma_start3A_48 = arith.constant 0 : i32
      %dma_start3A_49 = tpu.memref_slice %arg5[%add3A_37, %dma_start3A_48] : memref<215040x128xf32, #tpu.memory_space<hbm>> -> memref<672x128xf32, #tpu.memory_space<hbm>>
      tpu.enqueue_dma source(%arg6 : memref<672x128xf32, #tpu.memory_space<vmem>>) target(%dma_start3A_49 : memref<672x128xf32, #tpu.memory_space<hbm>>) target_semaphore(%run_scoped3A : memref<!tpu.dma_semaphore, #tpu.memory_space<semaphore_mem>>)
      %dma_wait3A = arith.constant 0 : i32
      %dma_wait3A_50 = tpu.memref_slice %arg5[%add3A_37, %dma_wait3A] : memref<215040x128xf32, #tpu.memory_space<hbm>> -> memref<672x128xf32, #tpu.memory_space<hbm>>
      %dma_wait3A_51 = arith.constant 0 : i32
      %dma_wait3A_52 = tpu.memref_slice %arg5[%add3A_37, %dma_wait3A_51] : memref<215040x128xf32, #tpu.memory_space<hbm>> -> memref<672x128xf32, #tpu.memory_space<hbm>>
      tpu.wait_dma2 semaphore(%run_scoped3A : memref<!tpu.dma_semaphore, #tpu.memory_space<semaphore_mem>>) src(%arg6 : memref<672x128xf32, #tpu.memory_space<vmem>>) dst(%dma_wait3A_52 : memref<672x128xf32, #tpu.memory_space<hbm>>)
      tpu.yield
    }) : () -> ()
    %add3A_38 = arith.constant 12768 : i32
    %add3A_39 = arith.addi %mul3A_0, %add3A_38 : i32
    "tpu.region"() ({
      %run_scoped3A = tpu.sem_alloc : memref<!tpu.dma_semaphore, #tpu.memory_space<semaphore_mem>>
      %dma_start3A = arith.constant 0 : i32
      %dma_start3A_47 = tpu.memref_slice %arg5[%add3A_39, %dma_start3A] : memref<215040x128xf32, #tpu.memory_space<hbm>> -> memref<672x128xf32, #tpu.memory_space<hbm>>
      %dma_start3A_48 = arith.constant 0 : i32
      %dma_start3A_49 = tpu.memref_slice %arg5[%add3A_39, %dma_start3A_48] : memref<215040x128xf32, #tpu.memory_space<hbm>> -> memref<672x128xf32, #tpu.memory_space<hbm>>
      tpu.enqueue_dma source(%arg6 : memref<672x128xf32, #tpu.memory_space<vmem>>) target(%dma_start3A_49 : memref<672x128xf32, #tpu.memory_space<hbm>>) target_semaphore(%run_scoped3A : memref<!tpu.dma_semaphore, #tpu.memory_space<semaphore_mem>>)
      %dma_wait3A = arith.constant 0 : i32
      %dma_wait3A_50 = tpu.memref_slice %arg5[%add3A_39, %dma_wait3A] : memref<215040x128xf32, #tpu.memory_space<hbm>> -> memref<672x128xf32, #tpu.memory_space<hbm>>
      %dma_wait3A_51 = arith.constant 0 : i32
      %dma_wait3A_52 = tpu.memref_slice %arg5[%add3A_39, %dma_wait3A_51] : memref<215040x128xf32, #tpu.memory_space<hbm>> -> memref<672x128xf32, #tpu.memory_space<hbm>>
      tpu.wait_dma2 semaphore(%run_scoped3A : memref<!tpu.dma_semaphore, #tpu.memory_space<semaphore_mem>>) src(%arg6 : memref<672x128xf32, #tpu.memory_space<vmem>>) dst(%dma_wait3A_52 : memref<672x128xf32, #tpu.memory_space<hbm>>)
      tpu.yield
    }) : () -> ()
    %barrier3A = arith.constant 0 : index
    tpu.barrier barrier_id(%barrier3A)
    %mul3A_40 = arith.constant 25600 : i32
    %mul3A_41 = arith.muli %arg1, %mul3A_40 : i32
    %scan3A = arith.constant 0 : i32
    %scan3A_42 = arith.constant 0 : i32
    %scan3A_43 = arith.constant 200 : i32
    %scan3A_44 = arith.addi %scan3A_42, %scan3A_43 : i32
    %scan3A_45 = arith.constant 1 : i32
    scf.for %scan3A_47 = %scan3A_42 to %scan3A_44 step %scan3A_45  : i32 {
      %mul3A_48 = arith.constant 128 : i32
      %mul3A_49 = arith.muli %scan3A_47, %mul3A_48 : i32
      %add3A_50 = arith.addi %mul3A_41, %mul3A_49 : i32
      %dma_start3A = tpu.memref_slice %arg3[%add3A_50] : memref<409600xi32, #tpu.memory_space<hbm>> -> memref<128xi32, #tpu.memory_space<hbm>>
      %dma_start3A_51 = tpu.memref_slice %arg3[%add3A_50] : memref<409600xi32, #tpu.memory_space<hbm>> -> memref<128xi32, #tpu.memory_space<hbm>>
      tpu.enqueue_dma source(%dma_start3A_51 : memref<128xi32, #tpu.memory_space<hbm>>) target(%arg7 : memref<128xi32, #tpu.memory_space<vmem>>) target_semaphore(%arg9 : memref<!tpu.dma_semaphore, #tpu.memory_space<semaphore_mem>>)
      %dma_start3A_52 = arith.constant 0 : i32
      %dma_start3A_53 = tpu.memref_slice %arg2[%add3A_50, %dma_start3A_52] : memref<409600x128xf32, #tpu.memory_space<hbm>> -> memref<128x128xf32, #tpu.memory_space<hbm>>
      %dma_start3A_54 = arith.constant 0 : i32
      %dma_start3A_55 = tpu.memref_slice %arg2[%add3A_50, %dma_start3A_54] : memref<409600x128xf32, #tpu.memory_space<hbm>> -> memref<128x128xf32, #tpu.memory_space<hbm>>
      tpu.enqueue_dma source(%dma_start3A_55 : memref<128x128xf32, #tpu.memory_space<hbm>>) target(%arg8 : memref<128x128xf32, #tpu.memory_space<vmem>>) target_semaphore(%arg9 : memref<!tpu.dma_semaphore, #tpu.memory_space<semaphore_mem>>)
      %dma_wait3A = tpu.memref_slice %arg3[%add3A_50] : memref<409600xi32, #tpu.memory_space<hbm>> -> memref<128xi32, #tpu.memory_space<hbm>>
      %dma_wait3A_56 = tpu.memref_slice %arg3[%add3A_50] : memref<409600xi32, #tpu.memory_space<hbm>> -> memref<128xi32, #tpu.memory_space<hbm>>
      tpu.wait_dma2 semaphore(%arg9 : memref<!tpu.dma_semaphore, #tpu.memory_space<semaphore_mem>>) src(%dma_wait3A_56 : memref<128xi32, #tpu.memory_space<hbm>>) dst(%arg7 : memref<128xi32, #tpu.memory_space<vmem>>)
      %dma_wait3A_57 = arith.constant 0 : i32
      %dma_wait3A_58 = tpu.memref_slice %arg2[%add3A_50, %dma_wait3A_57] : memref<409600x128xf32, #tpu.memory_space<hbm>> -> memref<128x128xf32, #tpu.memory_space<hbm>>
      %dma_wait3A_59 = arith.constant 0 : i32
      %dma_wait3A_60 = tpu.memref_slice %arg2[%add3A_50, %dma_wait3A_59] : memref<409600x128xf32, #tpu.memory_space<hbm>> -> memref<128x128xf32, #tpu.memory_space<hbm>>
      tpu.wait_dma2 semaphore(%arg9 : memref<!tpu.dma_semaphore, #tpu.memory_space<semaphore_mem>>) src(%dma_wait3A_60 : memref<128x128xf32, #tpu.memory_space<hbm>>) dst(%arg8 : memref<128x128xf32, #tpu.memory_space<vmem>>)
      "tpu.region"() ({
        %run_scoped3A = tpu.sem_alloc : memref<!tpu.dma_semaphore, #tpu.memory_space<semaphore_mem>>
        %dma_start3A_61 = arith.constant 0 : i32
        %dma_start3A_62 = arith.constant 0 : i32
        %dma_start3A_63 = tpu.memref_slice %arg5[%dma_start3A_61, %dma_start3A_62] : memref<215040x128xf32, #tpu.memory_space<hbm>> -> memref<215040x128xf32, #tpu.memory_space<hbm>>
        tpu.enqueue_indirect_dma source(%arg8 : memref<128x128xf32, #tpu.memory_space<vmem>>) target(%dma_start3A_63 : memref<215040x128xf32, #tpu.memory_space<hbm>>) offsets(%arg7 : memref<128xi32, #tpu.memory_space<vmem>>) semaphore(%run_scoped3A : memref<!tpu.dma_semaphore, #tpu.memory_space<semaphore_mem>>)
        %dma_wait3A_64 = arith.constant 0 : i32
        %dma_wait3A_65 = arith.constant 0 : i32
        %dma_wait3A_66 = tpu.memref_slice %arg5[%dma_wait3A_64, %dma_wait3A_65] : memref<215040x128xf32, #tpu.memory_space<hbm>> -> memref<215040x128xf32, #tpu.memory_space<hbm>>
        tpu.wait_indirect_dma semaphore(%run_scoped3A : memref<!tpu.dma_semaphore, #tpu.memory_space<semaphore_mem>>) src(%arg8 : memref<128x128xf32, #tpu.memory_space<vmem>>) dst(%dma_wait3A_66 : memref<215040x128xf32, #tpu.memory_space<hbm>>)
        tpu.yield
      }) : () -> ()
    }
    %scan3A_46 = arith.constant 200 : i32
    return
  }
}

module attributes {stable_mosaic.version = 14 : i64} {
  func.func @_stats1_kernel(%arg0: i32, %arg1: memref<1024x8xf32, #tpu.memory_space<vmem>>, %arg2: memref<1x8xf32, #tpu.memory_space<vmem>>, %arg3: memref<8x8xf32, #tpu.memory_space<vmem>>) attributes {dimension_semantics = [#tpu.dimension_semantics<arbitrary>], iteration_bounds = array<i64: 400>, scalar_prefetch = 0 : i64, scratch_operands = 0 : i64, tpu.core_type = #tpu.core_type<tc>, window_params = [{transform_indices = @transform_0, window_bounds = array<i64: 1024, 8>}, {pipeline_mode = #tpu.pipeline_mode<synchronous>, transform_indices = @transform_1, window_bounds = array<i64: 1, 8>}, {pipeline_mode = #tpu.pipeline_mode<synchronous>, transform_indices = @transform_2, window_bounds = array<i64: 8, 8>}]} {
    %eq3A = arith.constant 0 : i32
    %eq3A_0 = arith.cmpi eq, %arg0, %eq3A : i32
    %convert_element_type3A = arith.extui %eq3A_0 : i1 to i32
    %cond3A = arith.constant 0 : i32
    %cond3A_1 = arith.cmpi ne, %convert_element_type3A, %cond3A : i32
    scf.if %cond3A_1 {
      %broadcast_in_dim3A_18 = arith.constant 0.000000e+00 : f32
      %broadcast_in_dim3A_19 = vector.broadcast %broadcast_in_dim3A_18 : f32 to vector<1x8xf32>
      %swap3A_20 = arith.constant 0 : index
      %swap3A_21 = arith.constant 0 : index
      %swap3A_22 = vector.load %arg2[%swap3A_20, %swap3A_21] : memref<1x8xf32, #tpu.memory_space<vmem>>, vector<1x8xf32>
      tpu.vector_store %arg2[%swap3A_20, %swap3A_21], %broadcast_in_dim3A_19 {strides = array<i32>} : memref<1x8xf32, #tpu.memory_space<vmem>>, vector<1x8xf32>,
      %broadcast_in_dim3A_23 = arith.constant 0.000000e+00 : f32
      %broadcast_in_dim3A_24 = vector.broadcast %broadcast_in_dim3A_23 : f32 to vector<8x8xf32>
      %swap3A_25 = arith.constant 0 : index
      %swap3A_26 = arith.constant 0 : index
      %swap3A_27 = vector.load %arg3[%swap3A_25, %swap3A_26] : memref<8x8xf32, #tpu.memory_space<vmem>>, vector<8x8xf32>
      tpu.vector_store %arg3[%swap3A_25, %swap3A_26], %broadcast_in_dim3A_24 {strides = array<i32>} : memref<8x8xf32, #tpu.memory_space<vmem>>, vector<8x8xf32>,
    } else {
    }
    %get3A = arith.constant 0 : index
    %get3A_2 = arith.constant 0 : index
    %get3A_3 = vector.load %arg1[%get3A, %get3A_2] : memref<1024x8xf32, #tpu.memory_space<vmem>>, vector<1024x8xf32>
    %get3A_4 = arith.constant 0 : index
    %get3A_5 = arith.constant 0 : index
    %get3A_6 = vector.load %arg2[%get3A_4, %get3A_5] : memref<1x8xf32, #tpu.memory_space<vmem>>, vector<1x8xf32>
    %reduce_sum3A = arith.constant dense<0.000000e+00> : vector<8xf32>
    %reduce_sum3A_7 = vector.multi_reduction <add>, %get3A_3, %reduce_sum3A [0] : vector<1024x8xf32> to vector<8xf32>
    %broadcast_in_dim3A = vector.shape_cast %reduce_sum3A_7 : vector<8xf32> to vector<1x8xf32>
    %add3A = arith.addf %get3A_6, %broadcast_in_dim3A : vector<1x8xf32>
    %swap3A = arith.constant 0 : index
    %swap3A_8 = arith.constant 0 : index
    %swap3A_9 = vector.load %arg2[%swap3A, %swap3A_8] : memref<1x8xf32, #tpu.memory_space<vmem>>, vector<1x8xf32>
    tpu.vector_store %arg2[%swap3A, %swap3A_8], %add3A {strides = array<i32>} : memref<1x8xf32, #tpu.memory_space<vmem>>, vector<1x8xf32>,
    %get3A_10 = arith.constant 0 : index
    %get3A_11 = arith.constant 0 : index
    %get3A_12 = vector.load %arg3[%get3A_10, %get3A_11] : memref<8x8xf32, #tpu.memory_space<vmem>>, vector<8x8xf32>
    %dot_general3A = arith.constant dense<0.000000e+00> : vector<8x8xf32>
    %dot_general3A_13 = tpu.matmul %get3A_3, %get3A_3, %dot_general3A {dimension_numbers = #tpu.dot_dimension_numbers<[0], [0], [1], [1], [0, 1, 1, 1], [], []>, transpose_lhs_hint = false} : vector<1024x8xf32>, vector<1024x8xf32>, vector<8x8xf32> -> vector<8x8xf32>
    %add3A_14 = arith.addf %get3A_12, %dot_general3A_13 : vector<8x8xf32>
    %swap3A_15 = arith.constant 0 : index
    %swap3A_16 = arith.constant 0 : index
    %swap3A_17 = vector.load %arg3[%swap3A_15, %swap3A_16] : memref<8x8xf32, #tpu.memory_space<vmem>>, vector<8x8xf32>
    tpu.vector_store %arg3[%swap3A_15, %swap3A_16], %add3A_14 {strides = array<i32>} : memref<8x8xf32, #tpu.memory_space<vmem>>, vector<8x8xf32>,
    return
  }
  func.func @transform_0(%arg0: i32) -> (i32, i32) {
    %c0_i32 = arith.constant 0 : i32
    %c0_i32_0 = arith.constant 0 : i32
    return %arg0, %c0_i32 : i32, i32
  }
  func.func @transform_1(%arg0: i32) -> (i32, i32) {
    %c0_i32 = arith.constant 0 : i32
    %c0_i32_0 = arith.constant 0 : i32
    %c0_i32_1 = arith.constant 0 : i32
    return %c0_i32, %c0_i32_0 : i32, i32
  }
  func.func @transform_2(%arg0: i32) -> (i32, i32) {
    %c0_i32 = arith.constant 0 : i32
    %c0_i32_0 = arith.constant 0 : i32
    %c0_i32_1 = arith.constant 0 : i32
    return %c0_i32, %c0_i32_0 : i32, i32
  }
}

module attributes {stable_mosaic.version = 14 : i64} {
  func.func @_stats2_kernel(%arg0: i32, %arg1: memref<1024x8xf32, #tpu.memory_space<vmem>>, %arg2: memref<8x32xf32, #tpu.memory_space<vmem>>, %arg3: memref<1x32xf32, #tpu.memory_space<vmem>>, %arg4: memref<1x32xf32, #tpu.memory_space<vmem>>, %arg5: memref<32x32xf32, #tpu.memory_space<vmem>>) attributes {dimension_semantics = [#tpu.dimension_semantics<arbitrary>], iteration_bounds = array<i64: 400>, scalar_prefetch = 0 : i64, scratch_operands = 0 : i64, tpu.core_type = #tpu.core_type<tc>, window_params = [{transform_indices = @transform_0, window_bounds = array<i64: 1024, 8>}, {pipeline_mode = #tpu.pipeline_mode<synchronous>, transform_indices = @transform_1, window_bounds = array<i64: 8, 32>}, {pipeline_mode = #tpu.pipeline_mode<synchronous>, transform_indices = @transform_2, window_bounds = array<i64: 1, 32>}, {pipeline_mode = #tpu.pipeline_mode<synchronous>, transform_indices = @transform_3, window_bounds = array<i64: 1, 32>}, {pipeline_mode = #tpu.pipeline_mode<synchronous>, transform_indices = @transform_4, window_bounds = array<i64: 32, 32>}]} {
    %eq3A = arith.constant 0 : i32
    %eq3A_0 = arith.cmpi eq, %arg0, %eq3A : i32
    %convert_element_type3A = arith.extui %eq3A_0 : i1 to i32
    %cond3A = arith.constant 0 : i32
    %cond3A_1 = arith.cmpi ne, %convert_element_type3A, %cond3A : i32
    scf.if %cond3A_1 {
      %broadcast_in_dim3A_38 = arith.constant 0.000000e+00 : f32
      %broadcast_in_dim3A_39 = vector.broadcast %broadcast_in_dim3A_38 : f32 to vector<1x32xf32>
      %swap3A_40 = arith.constant 0 : index
      %swap3A_41 = arith.constant 0 : index
      %swap3A_42 = vector.load %arg4[%swap3A_40, %swap3A_41] : memref<1x32xf32, #tpu.memory_space<vmem>>, vector<1x32xf32>
      tpu.vector_store %arg4[%swap3A_40, %swap3A_41], %broadcast_in_dim3A_39 {strides = array<i32>} : memref<1x32xf32, #tpu.memory_space<vmem>>, vector<1x32xf32>,
      %broadcast_in_dim3A_43 = arith.constant 0.000000e+00 : f32
      %broadcast_in_dim3A_44 = vector.broadcast %broadcast_in_dim3A_43 : f32 to vector<32x32xf32>
      %swap3A_45 = arith.constant 0 : index
      %swap3A_46 = arith.constant 0 : index
      %swap3A_47 = vector.load %arg5[%swap3A_45, %swap3A_46] : memref<32x32xf32, #tpu.memory_space<vmem>>, vector<32x32xf32>
      tpu.vector_store %arg5[%swap3A_45, %swap3A_46], %broadcast_in_dim3A_44 {strides = array<i32>} : memref<32x32xf32, #tpu.memory_space<vmem>>, vector<32x32xf32>,
    } else {
    }
    %get3A = arith.constant 0 : index
    %get3A_2 = arith.constant 0 : index
    %get3A_3 = vector.load %arg1[%get3A, %get3A_2] : memref<1024x8xf32, #tpu.memory_space<vmem>>, vector<1024x8xf32>
    %get3A_4 = arith.constant 0 : index
    %get3A_5 = arith.constant 0 : index
    %get3A_6 = vector.load %arg2[%get3A_4, %get3A_5] : memref<8x32xf32, #tpu.memory_space<vmem>>, vector<8x32xf32>
    %dot_general3A = arith.constant dense<0.000000e+00> : vector<1024x32xf32>
    %dot_general3A_7 = tpu.matmul %get3A_3, %get3A_6, %dot_general3A {dimension_numbers = #tpu.dot_dimension_numbers<[1], [0], [0], [1], [0, 0, 1, 1], [], []>, transpose_lhs_hint = false} : vector<1024x8xf32>, vector<8x32xf32>, vector<1024x32xf32> -> vector<1024x32xf32>
    %get3A_8 = arith.constant 0 : index
    %get3A_9 = arith.constant 0 : index
    %get3A_10 = vector.load %arg3[%get3A_8, %get3A_9] : memref<1x32xf32, #tpu.memory_space<vmem>>, vector<1x32xf32>
    %add3A = vector.broadcast %get3A_10 : vector<1x32xf32> to vector<1024x32xf32>
    %add3A_11 = arith.addf %dot_general3A_7, %add3A : vector<1024x32xf32>
    %max3A = arith.constant 0.000000e+00 : f32
    %max3A_12 = vector.broadcast %max3A : f32 to vector<1024x32xf32>
    %max3A_13 = arith.maximumf %add3A_11, %max3A_12 : vector<1024x32xf32>
    %mul3A = arith.constant 1024 : i32
    %mul3A_14 = arith.muli %arg0, %mul3A : i32
    %iota3A = tpu.iota {dimensions = array<i32: 0>} : vector<1024x1xi32>
    %add3A_15 = vector.broadcast %mul3A_14 : i32 to vector<1024x1xi32>
    %add3A_16 = arith.addi %add3A_15, %iota3A : vector<1024x1xi32>
    %lt3A = arith.constant 400000 : i32
    %lt3A_17 = vector.broadcast %lt3A : i32 to vector<1024x1xi32>
    %lt3A_18 = arith.cmpi slt, %add3A_16, %lt3A_17 : vector<1024x1xi32>
    %jit3A = arith.constant 0.000000e+00 : f32
    %broadcast_in_dim3A = vector.shape_cast %lt3A_18 : vector<1024x1xi1> to vector<1024x1xi1>
    %broadcast_in_dim3A_19 = vector.broadcast %broadcast_in_dim3A : vector<1024x1xi1> to vector<1024x32xi1>
    %broadcast_in_dim3A_20 = vector.broadcast %jit3A : f32 to vector<1024x32xf32>
    %select_n3A = arith.select %broadcast_in_dim3A_19, %max3A_13, %broadcast_in_dim3A_20 : vector<1024x32xi1>, vector<1024x32xf32>
    %get3A_21 = arith.constant 0 : index
    %get3A_22 = arith.constant 0 : index
    %get3A_23 = vector.load %arg4[%get3A_21, %get3A_22] : memref<1x32xf32, #tpu.memory_space<vmem>>, vector<1x32xf32>
    %reduce_sum3A = arith.constant dense<0.000000e+00> : vector<32xf32>
    %reduce_sum3A_24 = vector.multi_reduction <add>, %select_n3A, %reduce_sum3A [0] : vector<1024x32xf32> to vector<32xf32>
    %broadcast_in_dim3A_25 = vector.shape_cast %reduce_sum3A_24 : vector<32xf32> to vector<1x32xf32>
    %add3A_26 = arith.addf %get3A_23, %broadcast_in_dim3A_25 : vector<1x32xf32>
    %swap3A = arith.constant 0 : index
    %swap3A_27 = arith.constant 0 : index
    %swap3A_28 = vector.load %arg4[%swap3A, %swap3A_27] : memref<1x32xf32, #tpu.memory_space<vmem>>, vector<1x32xf32>
    tpu.vector_store %arg4[%swap3A, %swap3A_27], %add3A_26 {strides = array<i32>} : memref<1x32xf32, #tpu.memory_space<vmem>>, vector<1x32xf32>,
    %get3A_29 = arith.constant 0 : index
    %get3A_30 = arith.constant 0 : index
    %get3A_31 = vector.load %arg5[%get3A_29, %get3A_30] : memref<32x32xf32, #tpu.memory_space<vmem>>, vector<32x32xf32>
    %dot_general3A_32 = arith.constant dense<0.000000e+00> : vector<32x32xf32>
    %dot_general3A_33 = tpu.matmul %select_n3A, %select_n3A, %dot_general3A_32 {dimension_numbers = #tpu.dot_dimension_numbers<[0], [0], [1], [1], [0, 1, 1, 1], [], []>, transpose_lhs_hint = false} : vector<1024x32xf32>, vector<1024x32xf32>, vector<32x32xf32> -> vector<32x32xf32>
    %add3A_34 = arith.addf %get3A_31, %dot_general3A_33 : vector<32x32xf32>
    %swap3A_35 = arith.constant 0 : index
    %swap3A_36 = arith.constant 0 : index
    %swap3A_37 = vector.load %arg5[%swap3A_35, %swap3A_36] : memref<32x32xf32, #tpu.memory_space<vmem>>, vector<32x32xf32>
    tpu.vector_store %arg5[%swap3A_35, %swap3A_36], %add3A_34 {strides = array<i32>} : memref<32x32xf32, #tpu.memory_space<vmem>>, vector<32x32xf32>,
    return
  }
  func.func @transform_0(%arg0: i32) -> (i32, i32) {
    %c0_i32 = arith.constant 0 : i32
    %c0_i32_0 = arith.constant 0 : i32
    return %arg0, %c0_i32 : i32, i32
  }
  func.func @transform_1(%arg0: i32) -> (i32, i32) {
    %c0_i32 = arith.constant 0 : i32
    %c0_i32_0 = arith.constant 0 : i32
    %c0_i32_1 = arith.constant 0 : i32
    return %c0_i32, %c0_i32_0 : i32, i32
  }
  func.func @transform_2(%arg0: i32) -> (i32, i32) {
    %c0_i32 = arith.constant 0 : i32
    %c0_i32_0 = arith.constant 0 : i32
    %c0_i32_1 = arith.constant 0 : i32
    return %c0_i32, %c0_i32_0 : i32, i32
  }
  func.func @transform_3(%arg0: i32) -> (i32, i32) {
    %c0_i32 = arith.constant 0 : i32
    %c0_i32_0 = arith.constant 0 : i32
    %c0_i32_1 = arith.constant 0 : i32
    return %c0_i32, %c0_i32_0 : i32, i32
  }
  func.func @transform_4(%arg0: i32) -> (i32, i32) {
    %c0_i32 = arith.constant 0 : i32
    %c0_i32_0 = arith.constant 0 : i32
    %c0_i32_1 = arith.constant 0 : i32
    return %c0_i32, %c0_i32_0 : i32, i32
  }
}

module attributes {stable_mosaic.version = 14 : i64} {
  func.func @_fwd_scan_kernel(%arg0: i32, %arg1: memref<1024x8xf32, #tpu.memory_space<vmem>>, %arg2: memref<1024x1xi32, #tpu.memory_space<vmem>>, %arg3: memref<8x32xf32, #tpu.memory_space<vmem>>, %arg4: memref<1x32xf32, #tpu.memory_space<vmem>>, %arg5: memref<32x64xf32, #tpu.memory_space<vmem>>, %arg6: memref<1x64xf32, #tpu.memory_space<vmem>>, %arg7: memref<64x64xf32, #tpu.memory_space<vmem>>, %arg8: memref<1x64xf32, #tpu.memory_space<vmem>>, %arg9: memref<1024x128xf32, #tpu.memory_space<vmem>>, %arg10: memref<1024x1xi32, #tpu.memory_space<vmem>>, %arg11: memref<1x1xi32, #tpu.memory_space<vmem>>, %arg12: memref<1x64xf32, #tpu.memory_space<vmem>>, %arg13: memref<1x64xf32, #tpu.memory_space<vmem>>, %arg14: memref<1x64xf32, #tpu.memory_space<vmem>>) attributes {dimension_semantics = [#tpu.dimension_semantics<arbitrary>], iteration_bounds = array<i64: 400>, scalar_prefetch = 0 : i64, scratch_operands = 4 : i64, tpu.core_type = #tpu.core_type<tc>, window_params = [{transform_indices = @transform_0, window_bounds = array<i64: 1024, 8>}, {transform_indices = @transform_1, window_bounds = array<i64: 1024, 1>}, {pipeline_mode = #tpu.pipeline_mode<synchronous>, transform_indices = @transform_2, window_bounds = array<i64: 8, 32>}, {pipeline_mode = #tpu.pipeline_mode<synchronous>, transform_indices = @transform_3, window_bounds = array<i64: 1, 32>}, {pipeline_mode = #tpu.pipeline_mode<synchronous>, transform_indices = @transform_4, window_bounds = array<i64: 32, 64>}, {pipeline_mode = #tpu.pipeline_mode<synchronous>, transform_indices = @transform_5, window_bounds = array<i64: 1, 64>}, {pipeline_mode = #tpu.pipeline_mode<synchronous>, transform_indices = @transform_6, window_bounds = array<i64: 64, 64>}, {pipeline_mode = #tpu.pipeline_mode<synchronous>, transform_indices = @transform_7, window_bounds = array<i64: 1, 64>}, {transform_indices = @transform_8, window_bounds = array<i64: 1024, 128>}, {transform_indices = @transform_9, window_bounds = array<i64: 1024, 1>}]} {
    %eq3A = arith.constant 0 : i32
    %eq3A_0 = arith.cmpi eq, %arg0, %eq3A : i32
    %convert_element_type3A = arith.extui %eq3A_0 : i1 to i32
    %cond3A = arith.constant 0 : i32
    %cond3A_1 = arith.cmpi ne, %convert_element_type3A, %cond3A : i32
    scf.if %cond3A_1 {
      %broadcast_in_dim3A_448 = arith.constant -1 : i32
      %broadcast_in_dim3A_449 = vector.broadcast %broadcast_in_dim3A_448 : i32 to vector<1x1xi32>
      %swap3A_450 = arith.constant 0 : index
      %swap3A_451 = arith.constant 0 : index
      %swap3A_452 = vector.load %arg11[%swap3A_450, %swap3A_451] : memref<1x1xi32, #tpu.memory_space<vmem>>, vector<1x1xi32>
      tpu.vector_store %arg11[%swap3A_450, %swap3A_451], %broadcast_in_dim3A_449 {strides = array<i32>} : memref<1x1xi32, #tpu.memory_space<vmem>>, vector<1x1xi32>,
      %broadcast_in_dim3A_453 = arith.constant 0.000000e+00 : f32
      %broadcast_in_dim3A_454 = vector.broadcast %broadcast_in_dim3A_453 : f32 to vector<1x64xf32>
      %swap3A_455 = arith.constant 0 : index
      %swap3A_456 = arith.constant 0 : index
      %swap3A_457 = vector.load %arg12[%swap3A_455, %swap3A_456] : memref<1x64xf32, #tpu.memory_space<vmem>>, vector<1x64xf32>
      tpu.vector_store %arg12[%swap3A_455, %swap3A_456], %broadcast_in_dim3A_454 {strides = array<i32>} : memref<1x64xf32, #tpu.memory_space<vmem>>, vector<1x64xf32>,
      %broadcast_in_dim3A_458 = arith.constant 0.000000e+00 : f32
      %broadcast_in_dim3A_459 = vector.broadcast %broadcast_in_dim3A_458 : f32 to vector<1x64xf32>
      %swap3A_460 = arith.constant 0 : index
      %swap3A_461 = arith.constant 0 : index
      %swap3A_462 = vector.load %arg13[%swap3A_460, %swap3A_461] : memref<1x64xf32, #tpu.memory_space<vmem>>, vector<1x64xf32>
      tpu.vector_store %arg13[%swap3A_460, %swap3A_461], %broadcast_in_dim3A_459 {strides = array<i32>} : memref<1x64xf32, #tpu.memory_space<vmem>>, vector<1x64xf32>,
      %broadcast_in_dim3A_463 = arith.constant 0.000000e+00 : f32
      %broadcast_in_dim3A_464 = vector.broadcast %broadcast_in_dim3A_463 : f32 to vector<1x64xf32>
      %swap3A_465 = arith.constant 0 : index
      %swap3A_466 = arith.constant 0 : index
      %swap3A_467 = vector.load %arg14[%swap3A_465, %swap3A_466] : memref<1x64xf32, #tpu.memory_space<vmem>>, vector<1x64xf32>
      tpu.vector_store %arg14[%swap3A_465, %swap3A_466], %broadcast_in_dim3A_464 {strides = array<i32>} : memref<1x64xf32, #tpu.memory_space<vmem>>, vector<1x64xf32>,
    } else {
    }
    %get3A = arith.constant 0 : index
    %get3A_2 = arith.constant 0 : index
    %get3A_3 = vector.load %arg1[%get3A, %get3A_2] : memref<1024x8xf32, #tpu.memory_space<vmem>>, vector<1024x8xf32>
    %get3A_4 = arith.constant 0 : index
    %get3A_5 = arith.constant 0 : index
    %get3A_6 = vector.load %arg2[%get3A_4, %get3A_5] : memref<1024x1xi32, #tpu.memory_space<vmem>>, vector<1024x1xi32>
    %get3A_7 = arith.constant 0 : index
    %get3A_8 = arith.constant 0 : index
    %get3A_9 = vector.load %arg3[%get3A_7, %get3A_8] : memref<8x32xf32, #tpu.memory_space<vmem>>, vector<8x32xf32>
    %dot_general3A = arith.constant dense<0.000000e+00> : vector<1024x32xf32>
    %dot_general3A_10 = tpu.matmul %get3A_3, %get3A_9, %dot_general3A {dimension_numbers = #tpu.dot_dimension_numbers<[1], [0], [0], [1], [0, 0, 1, 1], [], []>, transpose_lhs_hint = false} : vector<1024x8xf32>, vector<8x32xf32>, vector<1024x32xf32> -> vector<1024x32xf32>
    %get3A_11 = arith.constant 0 : index
    %get3A_12 = arith.constant 0 : index
    %get3A_13 = vector.load %arg4[%get3A_11, %get3A_12] : memref<1x32xf32, #tpu.memory_space<vmem>>, vector<1x32xf32>
    %add3A = vector.broadcast %get3A_13 : vector<1x32xf32> to vector<1024x32xf32>
    %add3A_14 = arith.addf %dot_general3A_10, %add3A : vector<1024x32xf32>
    %max3A = arith.constant 0.000000e+00 : f32
    %max3A_15 = vector.broadcast %max3A : f32 to vector<1024x32xf32>
    %max3A_16 = arith.maximumf %add3A_14, %max3A_15 : vector<1024x32xf32>
    %get3A_17 = arith.constant 0 : index
    %get3A_18 = arith.constant 0 : index
    %get3A_19 = vector.load %arg5[%get3A_17, %get3A_18] : memref<32x64xf32, #tpu.memory_space<vmem>>, vector<32x64xf32>
    %dot_general3A_20 = arith.constant dense<0.000000e+00> : vector<1024x64xf32>
    %dot_general3A_21 = tpu.matmul %max3A_16, %get3A_19, %dot_general3A_20 {dimension_numbers = #tpu.dot_dimension_numbers<[1], [0], [0], [1], [0, 0, 1, 1], [], []>, transpose_lhs_hint = false} : vector<1024x32xf32>, vector<32x64xf32>, vector<1024x64xf32> -> vector<1024x64xf32>
    %get3A_22 = arith.constant 0 : index
    %get3A_23 = arith.constant 0 : index
    %get3A_24 = vector.load %arg6[%get3A_22, %get3A_23] : memref<1x64xf32, #tpu.memory_space<vmem>>, vector<1x64xf32>
    %add3A_25 = vector.broadcast %get3A_24 : vector<1x64xf32> to vector<1024x64xf32>
    %add3A_26 = arith.addf %dot_general3A_21, %add3A_25 : vector<1024x64xf32>
    %max3A_27 = arith.constant 0.000000e+00 : f32
    %max3A_28 = vector.broadcast %max3A_27 : f32 to vector<1024x64xf32>
    %max3A_29 = arith.maximumf %add3A_26, %max3A_28 : vector<1024x64xf32>
    %get3A_30 = arith.constant 0 : index
    %get3A_31 = arith.constant 0 : index
    %get3A_32 = vector.load %arg7[%get3A_30, %get3A_31] : memref<64x64xf32, #tpu.memory_space<vmem>>, vector<64x64xf32>
    %dot_general3A_33 = arith.constant dense<0.000000e+00> : vector<1024x64xf32>
    %dot_general3A_34 = tpu.matmul %max3A_29, %get3A_32, %dot_general3A_33 {dimension_numbers = #tpu.dot_dimension_numbers<[1], [0], [0], [1], [0, 0, 1, 1], [], []>, transpose_lhs_hint = false} : vector<1024x64xf32>, vector<64x64xf32>, vector<1024x64xf32> -> vector<1024x64xf32>
    %get3A_35 = arith.constant 0 : index
    %get3A_36 = arith.constant 0 : index
    %get3A_37 = vector.load %arg8[%get3A_35, %get3A_36] : memref<1x64xf32, #tpu.memory_space<vmem>>, vector<1x64xf32>
    %add3A_38 = vector.broadcast %get3A_37 : vector<1x64xf32> to vector<1024x64xf32>
    %add3A_39 = arith.addf %dot_general3A_34, %add3A_38 : vector<1024x64xf32>
    %max3A_40 = arith.constant 0.000000e+00 : f32
    %max3A_41 = vector.broadcast %max3A_40 : f32 to vector<1024x64xf32>
    %max3A_42 = arith.maximumf %add3A_39, %max3A_41 : vector<1024x64xf32>
    %exp3A = math.exp %max3A_42 : vector<1024x64xf32>
    %mul3A = arith.mulf %max3A_29, %exp3A : vector<1024x64xf32>
    %get3A_43 = arith.constant 0 : index
    %get3A_44 = arith.constant 0 : index
    %get3A_45 = vector.load %arg11[%get3A_43, %get3A_44] : memref<1x1xi32, #tpu.memory_space<vmem>>, vector<1x1xi32>
    %slice3A = vector.extract_strided_slice %get3A_6 {offsets = [0, 0], sizes = [1023, 1], strides = [1, 1]} : vector<1024x1xi32> to vector<1023x1xi32>
    %concatenate3A = tpu.concatenate %get3A_45, %slice3A in 0 : vector<1x1xi32>, vector<1023x1xi32> -> vector<1024x1xi32>
    %eq3A_46 = arith.cmpi eq, %get3A_6, %concatenate3A : vector<1024x1xi32>
    %iota3A = tpu.iota {dimensions = array<i32: 0>} : vector<1024x1xi32>
    %eq3A_47 = arith.constant 0 : i32
    %eq3A_48 = vector.broadcast %eq3A_47 : i32 to vector<1024x1xi32>
    %eq3A_49 = arith.cmpi eq, %iota3A, %eq3A_48 : vector<1024x1xi32>
    %and3A = arith.andi %eq3A_49, %eq3A_46 : vector<1024x1xi1>
    %get3A_50 = arith.constant 0 : index
    %get3A_51 = arith.constant 0 : index
    %get3A_52 = vector.load %arg12[%get3A_50, %get3A_51] : memref<1x64xf32, #tpu.memory_space<vmem>>, vector<1x64xf32>
    %jit3A = arith.constant 0.000000e+00 : f32
    %broadcast_in_dim3A = vector.shape_cast %and3A : vector<1024x1xi1> to vector<1024x1xi1>
    %broadcast_in_dim3A_53 = vector.broadcast %broadcast_in_dim3A : vector<1024x1xi1> to vector<1024x64xi1>
    %broadcast_in_dim3A_54 = vector.shape_cast %get3A_52 : vector<1x64xf32> to vector<1x64xf32>
    %broadcast_in_dim3A_55 = vector.broadcast %broadcast_in_dim3A_54 : vector<1x64xf32> to vector<1024x64xf32>
    %broadcast_in_dim3A_56 = vector.broadcast %jit3A : f32 to vector<1024x64xf32>
    %select_n3A = arith.select %broadcast_in_dim3A_53, %broadcast_in_dim3A_55, %broadcast_in_dim3A_56 : vector<1024x64xi1>, vector<1024x64xf32>
    %add3A_57 = arith.addf %mul3A, %select_n3A : vector<1024x64xf32>
    %get3A_58 = arith.constant 0 : index
    %get3A_59 = arith.constant 0 : index
    %get3A_60 = vector.load %arg13[%get3A_58, %get3A_59] : memref<1x64xf32, #tpu.memory_space<vmem>>, vector<1x64xf32>
    %jit3A_61 = arith.constant 0.000000e+00 : f32
    %broadcast_in_dim3A_62 = vector.shape_cast %and3A : vector<1024x1xi1> to vector<1024x1xi1>
    %broadcast_in_dim3A_63 = vector.broadcast %broadcast_in_dim3A_62 : vector<1024x1xi1> to vector<1024x64xi1>
    %broadcast_in_dim3A_64 = vector.shape_cast %get3A_60 : vector<1x64xf32> to vector<1x64xf32>
    %broadcast_in_dim3A_65 = vector.broadcast %broadcast_in_dim3A_64 : vector<1x64xf32> to vector<1024x64xf32>
    %broadcast_in_dim3A_66 = vector.broadcast %jit3A_61 : f32 to vector<1024x64xf32>
    %select_n3A_67 = arith.select %broadcast_in_dim3A_63, %broadcast_in_dim3A_65, %broadcast_in_dim3A_66 : vector<1024x64xi1>, vector<1024x64xf32>
    %add3A_68 = arith.addf %exp3A, %select_n3A_67 : vector<1024x64xf32>
    %get3A_69 = arith.constant 0 : index
    %get3A_70 = arith.constant 0 : index
    %get3A_71 = vector.load %arg14[%get3A_69, %get3A_70] : memref<1x64xf32, #tpu.memory_space<vmem>>, vector<1x64xf32>
    %max3A_72 = vector.broadcast %get3A_71 : vector<1x64xf32> to vector<1024x64xf32>
    %max3A_73 = arith.maximumf %max3A_29, %max3A_72 : vector<1024x64xf32>
    %broadcast_in_dim3A_74 = vector.shape_cast %and3A : vector<1024x1xi1> to vector<1024x1xi1>
    %broadcast_in_dim3A_75 = vector.broadcast %broadcast_in_dim3A_74 : vector<1024x1xi1> to vector<1024x64xi1>
    %select_n3A_76 = arith.select %broadcast_in_dim3A_75, %max3A_73, %max3A_29 : vector<1024x64xi1>, vector<1024x64xf32>
    %convert_element_type3A_77 = arith.extui %eq3A_46 : vector<1024x1xi1> to vector<1024x1xi32>
    %convert_element_type3A_78 = arith.sitofp %convert_element_type3A_77 : vector<1024x1xi32> to vector<1024x1xf32>
    %broadcast_in_dim3A_79 = arith.constant 0.000000e+00 : f32
    %broadcast_in_dim3A_80 = vector.broadcast %broadcast_in_dim3A_79 : f32 to vector<1x1xf32>
    %slice3A_81 = vector.extract_strided_slice %convert_element_type3A_78 {offsets = [0, 0], sizes = [1023, 1], strides = [1, 1]} : vector<1024x1xf32> to vector<1023x1xf32>
    %concatenate3A_82 = tpu.concatenate %broadcast_in_dim3A_80, %slice3A_81 in 0 : vector<1x1xf32>, vector<1023x1xf32> -> vector<1024x1xf32>
    %broadcast_in_dim3A_83 = arith.constant 0.000000e+00 : f32
    %broadcast_in_dim3A_84 = vector.broadcast %broadcast_in_dim3A_83 : f32 to vector<1x64xf32>
    %slice3A_85 = vector.extract_strided_slice %add3A_57 {offsets = [0, 0], sizes = [1023, 64], strides = [1, 1]} : vector<1024x64xf32> to vector<1023x64xf32>
    %concatenate3A_86 = tpu.concatenate %broadcast_in_dim3A_84, %slice3A_85 in 0 : vector<1x64xf32>, vector<1023x64xf32> -> vector<1024x64xf32>
    %mul3A_87 = vector.broadcast %convert_element_type3A_78 : vector<1024x1xf32> to vector<1024x64xf32>
    %mul3A_88 = arith.mulf %mul3A_87, %concatenate3A_86 : vector<1024x64xf32>
    %add3A_89 = arith.addf %add3A_57, %mul3A_88 : vector<1024x64xf32>
    %broadcast_in_dim3A_90 = arith.constant 0.000000e+00 : f32
    %broadcast_in_dim3A_91 = vector.broadcast %broadcast_in_dim3A_90 : f32 to vector<1x64xf32>
    %slice3A_92 = vector.extract_strided_slice %add3A_68 {offsets = [0, 0], sizes = [1023, 64], strides = [1, 1]} : vector<1024x64xf32> to vector<1023x64xf32>
    %concatenate3A_93 = tpu.concatenate %broadcast_in_dim3A_91, %slice3A_92 in 0 : vector<1x64xf32>, vector<1023x64xf32> -> vector<1024x64xf32>
    %mul3A_94 = vector.broadcast %convert_element_type3A_78 : vector<1024x1xf32> to vector<1024x64xf32>
    %mul3A_95 = arith.mulf %mul3A_94, %concatenate3A_93 : vector<1024x64xf32>
    %add3A_96 = arith.addf %add3A_68, %mul3A_95 : vector<1024x64xf32>
    %gt3A = arith.constant 0.000000e+00 : f32
    %gt3A_97 = vector.broadcast %gt3A : f32 to vector<1024x1xf32>
    %gt3A_98 = arith.cmpf ogt, %convert_element_type3A_78, %gt3A_97 : vector<1024x1xf32>
    %broadcast_in_dim3A_99 = arith.constant 0.000000e+00 : f32
    %broadcast_in_dim3A_100 = vector.broadcast %broadcast_in_dim3A_99 : f32 to vector<1x64xf32>
    %slice3A_101 = vector.extract_strided_slice %select_n3A_76 {offsets = [0, 0], sizes = [1023, 64], strides = [1, 1]} : vector<1024x64xf32> to vector<1023x64xf32>
    %concatenate3A_102 = tpu.concatenate %broadcast_in_dim3A_100, %slice3A_101 in 0 : vector<1x64xf32>, vector<1023x64xf32> -> vector<1024x64xf32>
    %jit3A_103 = arith.constant 0.000000e+00 : f32
    %broadcast_in_dim3A_104 = vector.shape_cast %gt3A_98 : vector<1024x1xi1> to vector<1024x1xi1>
    %broadcast_in_dim3A_105 = vector.broadcast %broadcast_in_dim3A_104 : vector<1024x1xi1> to vector<1024x64xi1>
    %broadcast_in_dim3A_106 = vector.broadcast %jit3A_103 : f32 to vector<1024x64xf32>
    %select_n3A_107 = arith.select %broadcast_in_dim3A_105, %concatenate3A_102, %broadcast_in_dim3A_106 : vector<1024x64xi1>, vector<1024x64xf32>
    %max3A_108 = arith.maximumf %select_n3A_76, %select_n3A_107 : vector<1024x64xf32>
    %mul3A_109 = arith.mulf %convert_element_type3A_78, %concatenate3A_82 : vector<1024x1xf32>
    %broadcast_in_dim3A_110 = arith.constant 0.000000e+00 : f32
    %broadcast_in_dim3A_111 = vector.broadcast %broadcast_in_dim3A_110 : f32 to vector<2x1xf32>
    %slice3A_112 = vector.extract_strided_slice %mul3A_109 {offsets = [0, 0], sizes = [1022, 1], strides = [1, 1]} : vector<1024x1xf32> to vector<1022x1xf32>
    %concatenate3A_113 = tpu.concatenate %broadcast_in_dim3A_111, %slice3A_112 in 0 : vector<2x1xf32>, vector<1022x1xf32> -> vector<1024x1xf32>
    %broadcast_in_dim3A_114 = arith.constant 0.000000e+00 : f32
    %broadcast_in_dim3A_115 = vector.broadcast %broadcast_in_dim3A_114 : f32 to vector<2x64xf32>
    %slice3A_116 = vector.extract_strided_slice %add3A_89 {offsets = [0, 0], sizes = [1022, 64], strides = [1, 1]} : vector<1024x64xf32> to vector<1022x64xf32>
    %concatenate3A_117 = tpu.concatenate %broadcast_in_dim3A_115, %slice3A_116 in 0 : vector<2x64xf32>, vector<1022x64xf32> -> vector<1024x64xf32>
    %mul3A_118 = vector.broadcast %mul3A_109 : vector<1024x1xf32> to vector<1024x64xf32>
    %mul3A_119 = arith.mulf %mul3A_118, %concatenate3A_117 : vector<1024x64xf32>
    %add3A_120 = arith.addf %add3A_89, %mul3A_119 : vector<1024x64xf32>
    %broadcast_in_dim3A_121 = arith.constant 0.000000e+00 : f32
    %broadcast_in_dim3A_122 = vector.broadcast %broadcast_in_dim3A_121 : f32 to vector<2x64xf32>
    %slice3A_123 = vector.extract_strided_slice %add3A_96 {offsets = [0, 0], sizes = [1022, 64], strides = [1, 1]} : vector<1024x64xf32> to vector<1022x64xf32>
    %concatenate3A_124 = tpu.concatenate %broadcast_in_dim3A_122, %slice3A_123 in 0 : vector<2x64xf32>, vector<1022x64xf32> -> vector<1024x64xf32>
    %mul3A_125 = vector.broadcast %mul3A_109 : vector<1024x1xf32> to vector<1024x64xf32>
    %mul3A_126 = arith.mulf %mul3A_125, %concatenate3A_124 : vector<1024x64xf32>
    %add3A_127 = arith.addf %add3A_96, %mul3A_126 : vector<1024x64xf32>
    %gt3A_128 = arith.constant 0.000000e+00 : f32
    %gt3A_129 = vector.broadcast %gt3A_128 : f32 to vector<1024x1xf32>
    %gt3A_130 = arith.cmpf ogt, %mul3A_109, %gt3A_129 : vector<1024x1xf32>
    %broadcast_in_dim3A_131 = arith.constant 0.000000e+00 : f32
    %broadcast_in_dim3A_132 = vector.broadcast %broadcast_in_dim3A_131 : f32 to vector<2x64xf32>
    %slice3A_133 = vector.extract_strided_slice %max3A_108 {offsets = [0, 0], sizes = [1022, 64], strides = [1, 1]} : vector<1024x64xf32> to vector<1022x64xf32>
    %concatenate3A_134 = tpu.concatenate %broadcast_in_dim3A_132, %slice3A_133 in 0 : vector<2x64xf32>, vector<1022x64xf32> -> vector<1024x64xf32>
    %jit3A_135 = arith.constant 0.000000e+00 : f32
    %broadcast_in_dim3A_136 = vector.shape_cast %gt3A_130 : vector<1024x1xi1> to vector<1024x1xi1>
    %broadcast_in_dim3A_137 = vector.broadcast %broadcast_in_dim3A_136 : vector<1024x1xi1> to vector<1024x64xi1>
    %broadcast_in_dim3A_138 = vector.broadcast %jit3A_135 : f32 to vector<1024x64xf32>
    %select_n3A_139 = arith.select %broadcast_in_dim3A_137, %concatenate3A_134, %broadcast_in_dim3A_138 : vector<1024x64xi1>, vector<1024x64xf32>
    %max3A_140 = arith.maximumf %max3A_108, %select_n3A_139 : vector<1024x64xf32>
    %mul3A_141 = arith.mulf %mul3A_109, %concatenate3A_113 : vector<1024x1xf32>
    %broadcast_in_dim3A_142 = arith.constant 0.000000e+00 : f32
    %broadcast_in_dim3A_143 = vector.broadcast %broadcast_in_dim3A_142 : f32 to vector<4x1xf32>
    %slice3A_144 = vector.extract_strided_slice %mul3A_141 {offsets = [0, 0], sizes = [1020, 1], strides = [1, 1]} : vector<1024x1xf32> to vector<1020x1xf32>
    %concatenate3A_145 = tpu.concatenate %broadcast_in_dim3A_143, %slice3A_144 in 0 : vector<4x1xf32>, vector<1020x1xf32> -> vector<1024x1xf32>
    %broadcast_in_dim3A_146 = arith.constant 0.000000e+00 : f32
    %broadcast_in_dim3A_147 = vector.broadcast %broadcast_in_dim3A_146 : f32 to vector<4x64xf32>
    %slice3A_148 = vector.extract_strided_slice %add3A_120 {offsets = [0, 0], sizes = [1020, 64], strides = [1, 1]} : vector<1024x64xf32> to vector<1020x64xf32>
    %concatenate3A_149 = tpu.concatenate %broadcast_in_dim3A_147, %slice3A_148 in 0 : vector<4x64xf32>, vector<1020x64xf32> -> vector<1024x64xf32>
    %mul3A_150 = vector.broadcast %mul3A_141 : vector<1024x1xf32> to vector<1024x64xf32>
    %mul3A_151 = arith.mulf %mul3A_150, %concatenate3A_149 : vector<1024x64xf32>
    %add3A_152 = arith.addf %add3A_120, %mul3A_151 : vector<1024x64xf32>
    %broadcast_in_dim3A_153 = arith.constant 0.000000e+00 : f32
    %broadcast_in_dim3A_154 = vector.broadcast %broadcast_in_dim3A_153 : f32 to vector<4x64xf32>
    %slice3A_155 = vector.extract_strided_slice %add3A_127 {offsets = [0, 0], sizes = [1020, 64], strides = [1, 1]} : vector<1024x64xf32> to vector<1020x64xf32>
    %concatenate3A_156 = tpu.concatenate %broadcast_in_dim3A_154, %slice3A_155 in 0 : vector<4x64xf32>, vector<1020x64xf32> -> vector<1024x64xf32>
    %mul3A_157 = vector.broadcast %mul3A_141 : vector<1024x1xf32> to vector<1024x64xf32>
    %mul3A_158 = arith.mulf %mul3A_157, %concatenate3A_156 : vector<1024x64xf32>
    %add3A_159 = arith.addf %add3A_127, %mul3A_158 : vector<1024x64xf32>
    %gt3A_160 = arith.constant 0.000000e+00 : f32
    %gt3A_161 = vector.broadcast %gt3A_160 : f32 to vector<1024x1xf32>
    %gt3A_162 = arith.cmpf ogt, %mul3A_141, %gt3A_161 : vector<1024x1xf32>
    %broadcast_in_dim3A_163 = arith.constant 0.000000e+00 : f32
    %broadcast_in_dim3A_164 = vector.broadcast %broadcast_in_dim3A_163 : f32 to vector<4x64xf32>
    %slice3A_165 = vector.extract_strided_slice %max3A_140 {offsets = [0, 0], sizes = [1020, 64], strides = [1, 1]} : vector<1024x64xf32> to vector<1020x64xf32>
    %concatenate3A_166 = tpu.concatenate %broadcast_in_dim3A_164, %slice3A_165 in 0 : vector<4x64xf32>, vector<1020x64xf32> -> vector<1024x64xf32>
    %jit3A_167 = arith.constant 0.000000e+00 : f32
    %broadcast_in_dim3A_168 = vector.shape_cast %gt3A_162 : vector<1024x1xi1> to vector<1024x1xi1>
    %broadcast_in_dim3A_169 = vector.broadcast %broadcast_in_dim3A_168 : vector<1024x1xi1> to vector<1024x64xi1>
    %broadcast_in_dim3A_170 = vector.broadcast %jit3A_167 : f32 to vector<1024x64xf32>
    %select_n3A_171 = arith.select %broadcast_in_dim3A_169, %concatenate3A_166, %broadcast_in_dim3A_170 : vector<1024x64xi1>, vector<1024x64xf32>
    %max3A_172 = arith.maximumf %max3A_140, %select_n3A_171 : vector<1024x64xf32>
    %mul3A_173 = arith.mulf %mul3A_141, %concatenate3A_145 : vector<1024x1xf32>
    %broadcast_in_dim3A_174 = arith.constant 0.000000e+00 : f32
    %broadcast_in_dim3A_175 = vector.broadcast %broadcast_in_dim3A_174 : f32 to vector<8x1xf32>
    %slice3A_176 = vector.extract_strided_slice %mul3A_173 {offsets = [0, 0], sizes = [1016, 1], strides = [1, 1]} : vector<1024x1xf32> to vector<1016x1xf32>
    %concatenate3A_177 = tpu.concatenate %broadcast_in_dim3A_175, %slice3A_176 in 0 : vector<8x1xf32>, vector<1016x1xf32> -> vector<1024x1xf32>
    %broadcast_in_dim3A_178 = arith.constant 0.000000e+00 : f32
    %broadcast_in_dim3A_179 = vector.broadcast %broadcast_in_dim3A_178 : f32 to vector<8x64xf32>
    %slice3A_180 = vector.extract_strided_slice %add3A_152 {offsets = [0, 0], sizes = [1016, 64], strides = [1, 1]} : vector<1024x64xf32> to vector<1016x64xf32>
    %concatenate3A_181 = tpu.concatenate %broadcast_in_dim3A_179, %slice3A_180 in 0 : vector<8x64xf32>, vector<1016x64xf32> -> vector<1024x64xf32>
    %mul3A_182 = vector.broadcast %mul3A_173 : vector<1024x1xf32> to vector<1024x64xf32>
    %mul3A_183 = arith.mulf %mul3A_182, %concatenate3A_181 : vector<1024x64xf32>
    %add3A_184 = arith.addf %add3A_152, %mul3A_183 : vector<1024x64xf32>
    %broadcast_in_dim3A_185 = arith.constant 0.000000e+00 : f32
    %broadcast_in_dim3A_186 = vector.broadcast %broadcast_in_dim3A_185 : f32 to vector<8x64xf32>
    %slice3A_187 = vector.extract_strided_slice %add3A_159 {offsets = [0, 0], sizes = [1016, 64], strides = [1, 1]} : vector<1024x64xf32> to vector<1016x64xf32>
    %concatenate3A_188 = tpu.concatenate %broadcast_in_dim3A_186, %slice3A_187 in 0 : vector<8x64xf32>, vector<1016x64xf32> -> vector<1024x64xf32>
    %mul3A_189 = vector.broadcast %mul3A_173 : vector<1024x1xf32> to vector<1024x64xf32>
    %mul3A_190 = arith.mulf %mul3A_189, %concatenate3A_188 : vector<1024x64xf32>
    %add3A_191 = arith.addf %add3A_159, %mul3A_190 : vector<1024x64xf32>
    %gt3A_192 = arith.constant 0.000000e+00 : f32
    %gt3A_193 = vector.broadcast %gt3A_192 : f32 to vector<1024x1xf32>
    %gt3A_194 = arith.cmpf ogt, %mul3A_173, %gt3A_193 : vector<1024x1xf32>
    %broadcast_in_dim3A_195 = arith.constant 0.000000e+00 : f32
    %broadcast_in_dim3A_196 = vector.broadcast %broadcast_in_dim3A_195 : f32 to vector<8x64xf32>
    %slice3A_197 = vector.extract_strided_slice %max3A_172 {offsets = [0, 0], sizes = [1016, 64], strides = [1, 1]} : vector<1024x64xf32> to vector<1016x64xf32>
    %concatenate3A_198 = tpu.concatenate %broadcast_in_dim3A_196, %slice3A_197 in 0 : vector<8x64xf32>, vector<1016x64xf32> -> vector<1024x64xf32>
    %jit3A_199 = arith.constant 0.000000e+00 : f32
    %broadcast_in_dim3A_200 = vector.shape_cast %gt3A_194 : vector<1024x1xi1> to vector<1024x1xi1>
    %broadcast_in_dim3A_201 = vector.broadcast %broadcast_in_dim3A_200 : vector<1024x1xi1> to vector<1024x64xi1>
    %broadcast_in_dim3A_202 = vector.broadcast %jit3A_199 : f32 to vector<1024x64xf32>
    %select_n3A_203 = arith.select %broadcast_in_dim3A_201, %concatenate3A_198, %broadcast_in_dim3A_202 : vector<1024x64xi1>, vector<1024x64xf32>
    %max3A_204 = arith.maximumf %max3A_172, %select_n3A_203 : vector<1024x64xf32>
    %mul3A_205 = arith.mulf %mul3A_173, %concatenate3A_177 : vector<1024x1xf32>
    %broadcast_in_dim3A_206 = arith.constant 0.000000e+00 : f32
    %broadcast_in_dim3A_207 = vector.broadcast %broadcast_in_dim3A_206 : f32 to vector<16x1xf32>
    %slice3A_208 = vector.extract_strided_slice %mul3A_205 {offsets = [0, 0], sizes = [1008, 1], strides = [1, 1]} : vector<1024x1xf32> to vector<1008x1xf32>
    %concatenate3A_209 = tpu.concatenate %broadcast_in_dim3A_207, %slice3A_208 in 0 : vector<16x1xf32>, vector<1008x1xf32> -> vector<1024x1xf32>
    %broadcast_in_dim3A_210 = arith.constant 0.000000e+00 : f32
    %broadcast_in_dim3A_211 = vector.broadcast %broadcast_in_dim3A_210 : f32 to vector<16x64xf32>
    %slice3A_212 = vector.extract_strided_slice %add3A_184 {offsets = [0, 0], sizes = [1008, 64], strides = [1, 1]} : vector<1024x64xf32> to vector<1008x64xf32>
    %concatenate3A_213 = tpu.concatenate %broadcast_in_dim3A_211, %slice3A_212 in 0 : vector<16x64xf32>, vector<1008x64xf32> -> vector<1024x64xf32>
    %mul3A_214 = vector.broadcast %mul3A_205 : vector<1024x1xf32> to vector<1024x64xf32>
    %mul3A_215 = arith.mulf %mul3A_214, %concatenate3A_213 : vector<1024x64xf32>
    %add3A_216 = arith.addf %add3A_184, %mul3A_215 : vector<1024x64xf32>
    %broadcast_in_dim3A_217 = arith.constant 0.000000e+00 : f32
    %broadcast_in_dim3A_218 = vector.broadcast %broadcast_in_dim3A_217 : f32 to vector<16x64xf32>
    %slice3A_219 = vector.extract_strided_slice %add3A_191 {offsets = [0, 0], sizes = [1008, 64], strides = [1, 1]} : vector<1024x64xf32> to vector<1008x64xf32>
    %concatenate3A_220 = tpu.concatenate %broadcast_in_dim3A_218, %slice3A_219 in 0 : vector<16x64xf32>, vector<1008x64xf32> -> vector<1024x64xf32>
    %mul3A_221 = vector.broadcast %mul3A_205 : vector<1024x1xf32> to vector<1024x64xf32>
    %mul3A_222 = arith.mulf %mul3A_221, %concatenate3A_220 : vector<1024x64xf32>
    %add3A_223 = arith.addf %add3A_191, %mul3A_222 : vector<1024x64xf32>
    %gt3A_224 = arith.constant 0.000000e+00 : f32
    %gt3A_225 = vector.broadcast %gt3A_224 : f32 to vector<1024x1xf32>
    %gt3A_226 = arith.cmpf ogt, %mul3A_205, %gt3A_225 : vector<1024x1xf32>
    %broadcast_in_dim3A_227 = arith.constant 0.000000e+00 : f32
    %broadcast_in_dim3A_228 = vector.broadcast %broadcast_in_dim3A_227 : f32 to vector<16x64xf32>
    %slice3A_229 = vector.extract_strided_slice %max3A_204 {offsets = [0, 0], sizes = [1008, 64], strides = [1, 1]} : vector<1024x64xf32> to vector<1008x64xf32>
    %concatenate3A_230 = tpu.concatenate %broadcast_in_dim3A_228, %slice3A_229 in 0 : vector<16x64xf32>, vector<1008x64xf32> -> vector<1024x64xf32>
    %jit3A_231 = arith.constant 0.000000e+00 : f32
    %broadcast_in_dim3A_232 = vector.shape_cast %gt3A_226 : vector<1024x1xi1> to vector<1024x1xi1>
    %broadcast_in_dim3A_233 = vector.broadcast %broadcast_in_dim3A_232 : vector<1024x1xi1> to vector<1024x64xi1>
    %broadcast_in_dim3A_234 = vector.broadcast %jit3A_231 : f32 to vector<1024x64xf32>
    %select_n3A_235 = arith.select %broadcast_in_dim3A_233, %concatenate3A_230, %broadcast_in_dim3A_234 : vector<1024x64xi1>, vector<1024x64xf32>
    %max3A_236 = arith.maximumf %max3A_204, %select_n3A_235 : vector<1024x64xf32>
    %mul3A_237 = arith.mulf %mul3A_205, %concatenate3A_209 : vector<1024x1xf32>
    %broadcast_in_dim3A_238 = arith.constant 0.000000e+00 : f32
    %broadcast_in_dim3A_239 = vector.broadcast %broadcast_in_dim3A_238 : f32 to vector<32x1xf32>
    %slice3A_240 = vector.extract_strided_slice %mul3A_237 {offsets = [0, 0], sizes = [992, 1], strides = [1, 1]} : vector<1024x1xf32> to vector<992x1xf32>
    %concatenate3A_241 = tpu.concatenate %broadcast_in_dim3A_239, %slice3A_240 in 0 : vector<32x1xf32>, vector<992x1xf32> -> vector<1024x1xf32>
    %broadcast_in_dim3A_242 = arith.constant 0.000000e+00 : f32
    %broadcast_in_dim3A_243 = vector.broadcast %broadcast_in_dim3A_242 : f32 to vector<32x64xf32>
    %slice3A_244 = vector.extract_strided_slice %add3A_216 {offsets = [0, 0], sizes = [992, 64], strides = [1, 1]} : vector<1024x64xf32> to vector<992x64xf32>
    %concatenate3A_245 = tpu.concatenate %broadcast_in_dim3A_243, %slice3A_244 in 0 : vector<32x64xf32>, vector<992x64xf32> -> vector<1024x64xf32>
    %mul3A_246 = vector.broadcast %mul3A_237 : vector<1024x1xf32> to vector<1024x64xf32>
    %mul3A_247 = arith.mulf %mul3A_246, %concatenate3A_245 : vector<1024x64xf32>
    %add3A_248 = arith.addf %add3A_216, %mul3A_247 : vector<1024x64xf32>
    %broadcast_in_dim3A_249 = arith.constant 0.000000e+00 : f32
    %broadcast_in_dim3A_250 = vector.broadcast %broadcast_in_dim3A_249 : f32 to vector<32x64xf32>
    %slice3A_251 = vector.extract_strided_slice %add3A_223 {offsets = [0, 0], sizes = [992, 64], strides = [1, 1]} : vector<1024x64xf32> to vector<992x64xf32>
    %concatenate3A_252 = tpu.concatenate %broadcast_in_dim3A_250, %slice3A_251 in 0 : vector<32x64xf32>, vector<992x64xf32> -> vector<1024x64xf32>
    %mul3A_253 = vector.broadcast %mul3A_237 : vector<1024x1xf32> to vector<1024x64xf32>
    %mul3A_254 = arith.mulf %mul3A_253, %concatenate3A_252 : vector<1024x64xf32>
    %add3A_255 = arith.addf %add3A_223, %mul3A_254 : vector<1024x64xf32>
    %gt3A_256 = arith.constant 0.000000e+00 : f32
    %gt3A_257 = vector.broadcast %gt3A_256 : f32 to vector<1024x1xf32>
    %gt3A_258 = arith.cmpf ogt, %mul3A_237, %gt3A_257 : vector<1024x1xf32>
    %broadcast_in_dim3A_259 = arith.constant 0.000000e+00 : f32
    %broadcast_in_dim3A_260 = vector.broadcast %broadcast_in_dim3A_259 : f32 to vector<32x64xf32>
    %slice3A_261 = vector.extract_strided_slice %max3A_236 {offsets = [0, 0], sizes = [992, 64], strides = [1, 1]} : vector<1024x64xf32> to vector<992x64xf32>
    %concatenate3A_262 = tpu.concatenate %broadcast_in_dim3A_260, %slice3A_261 in 0 : vector<32x64xf32>, vector<992x64xf32> -> vector<1024x64xf32>
    %jit3A_263 = arith.constant 0.000000e+00 : f32
    %broadcast_in_dim3A_264 = vector.shape_cast %gt3A_258 : vector<1024x1xi1> to vector<1024x1xi1>
    %broadcast_in_dim3A_265 = vector.broadcast %broadcast_in_dim3A_264 : vector<1024x1xi1> to vector<1024x64xi1>
    %broadcast_in_dim3A_266 = vector.broadcast %jit3A_263 : f32 to vector<1024x64xf32>
    %select_n3A_267 = arith.select %broadcast_in_dim3A_265, %concatenate3A_262, %broadcast_in_dim3A_266 : vector<1024x64xi1>, vector<1024x64xf32>
    %max3A_268 = arith.maximumf %max3A_236, %select_n3A_267 : vector<1024x64xf32>
    %mul3A_269 = arith.mulf %mul3A_237, %concatenate3A_241 : vector<1024x1xf32>
    %broadcast_in_dim3A_270 = arith.constant 0.000000e+00 : f32
    %broadcast_in_dim3A_271 = vector.broadcast %broadcast_in_dim3A_270 : f32 to vector<64x1xf32>
    %slice3A_272 = vector.extract_strided_slice %mul3A_269 {offsets = [0, 0], sizes = [960, 1], strides = [1, 1]} : vector<1024x1xf32> to vector<960x1xf32>
    %concatenate3A_273 = tpu.concatenate %broadcast_in_dim3A_271, %slice3A_272 in 0 : vector<64x1xf32>, vector<960x1xf32> -> vector<1024x1xf32>
    %broadcast_in_dim3A_274 = arith.constant 0.000000e+00 : f32
    %broadcast_in_dim3A_275 = vector.broadcast %broadcast_in_dim3A_274 : f32 to vector<64x64xf32>
    %slice3A_276 = vector.extract_strided_slice %add3A_248 {offsets = [0, 0], sizes = [960, 64], strides = [1, 1]} : vector<1024x64xf32> to vector<960x64xf32>
    %concatenate3A_277 = tpu.concatenate %broadcast_in_dim3A_275, %slice3A_276 in 0 : vector<64x64xf32>, vector<960x64xf32> -> vector<1024x64xf32>
    %mul3A_278 = vector.broadcast %mul3A_269 : vector<1024x1xf32> to vector<1024x64xf32>
    %mul3A_279 = arith.mulf %mul3A_278, %concatenate3A_277 : vector<1024x64xf32>
    %add3A_280 = arith.addf %add3A_248, %mul3A_279 : vector<1024x64xf32>
    %broadcast_in_dim3A_281 = arith.constant 0.000000e+00 : f32
    %broadcast_in_dim3A_282 = vector.broadcast %broadcast_in_dim3A_281 : f32 to vector<64x64xf32>
    %slice3A_283 = vector.extract_strided_slice %add3A_255 {offsets = [0, 0], sizes = [960, 64], strides = [1, 1]} : vector<1024x64xf32> to vector<960x64xf32>
    %concatenate3A_284 = tpu.concatenate %broadcast_in_dim3A_282, %slice3A_283 in 0 : vector<64x64xf32>, vector<960x64xf32> -> vector<1024x64xf32>
    %mul3A_285 = vector.broadcast %mul3A_269 : vector<1024x1xf32> to vector<1024x64xf32>
    %mul3A_286 = arith.mulf %mul3A_285, %concatenate3A_284 : vector<1024x64xf32>
    %add3A_287 = arith.addf %add3A_255, %mul3A_286 : vector<1024x64xf32>
    %gt3A_288 = arith.constant 0.000000e+00 : f32
    %gt3A_289 = vector.broadcast %gt3A_288 : f32 to vector<1024x1xf32>
    %gt3A_290 = arith.cmpf ogt, %mul3A_269, %gt3A_289 : vector<1024x1xf32>
    %broadcast_in_dim3A_291 = arith.constant 0.000000e+00 : f32
    %broadcast_in_dim3A_292 = vector.broadcast %broadcast_in_dim3A_291 : f32 to vector<64x64xf32>
    %slice3A_293 = vector.extract_strided_slice %max3A_268 {offsets = [0, 0], sizes = [960, 64], strides = [1, 1]} : vector<1024x64xf32> to vector<960x64xf32>
    %concatenate3A_294 = tpu.concatenate %broadcast_in_dim3A_292, %slice3A_293 in 0 : vector<64x64xf32>, vector<960x64xf32> -> vector<1024x64xf32>
    %jit3A_295 = arith.constant 0.000000e+00 : f32
    %broadcast_in_dim3A_296 = vector.shape_cast %gt3A_290 : vector<1024x1xi1> to vector<1024x1xi1>
    %broadcast_in_dim3A_297 = vector.broadcast %broadcast_in_dim3A_296 : vector<1024x1xi1> to vector<1024x64xi1>
    %broadcast_in_dim3A_298 = vector.broadcast %jit3A_295 : f32 to vector<1024x64xf32>
    %select_n3A_299 = arith.select %broadcast_in_dim3A_297, %concatenate3A_294, %broadcast_in_dim3A_298 : vector<1024x64xi1>, vector<1024x64xf32>
    %max3A_300 = arith.maximumf %max3A_268, %select_n3A_299 : vector<1024x64xf32>
    %mul3A_301 = arith.mulf %mul3A_269, %concatenate3A_273 : vector<1024x1xf32>
    %broadcast_in_dim3A_302 = arith.constant 0.000000e+00 : f32
    %broadcast_in_dim3A_303 = vector.broadcast %broadcast_in_dim3A_302 : f32 to vector<128x1xf32>
    %slice3A_304 = vector.extract_strided_slice %mul3A_301 {offsets = [0, 0], sizes = [896, 1], strides = [1, 1]} : vector<1024x1xf32> to vector<896x1xf32>
    %concatenate3A_305 = tpu.concatenate %broadcast_in_dim3A_303, %slice3A_304 in 0 : vector<128x1xf32>, vector<896x1xf32> -> vector<1024x1xf32>
    %broadcast_in_dim3A_306 = arith.constant 0.000000e+00 : f32
    %broadcast_in_dim3A_307 = vector.broadcast %broadcast_in_dim3A_306 : f32 to vector<128x64xf32>
    %slice3A_308 = vector.extract_strided_slice %add3A_280 {offsets = [0, 0], sizes = [896, 64], strides = [1, 1]} : vector<1024x64xf32> to vector<896x64xf32>
    %concatenate3A_309 = tpu.concatenate %broadcast_in_dim3A_307, %slice3A_308 in 0 : vector<128x64xf32>, vector<896x64xf32> -> vector<1024x64xf32>
    %mul3A_310 = vector.broadcast %mul3A_301 : vector<1024x1xf32> to vector<1024x64xf32>
    %mul3A_311 = arith.mulf %mul3A_310, %concatenate3A_309 : vector<1024x64xf32>
    %add3A_312 = arith.addf %add3A_280, %mul3A_311 : vector<1024x64xf32>
    %broadcast_in_dim3A_313 = arith.constant 0.000000e+00 : f32
    %broadcast_in_dim3A_314 = vector.broadcast %broadcast_in_dim3A_313 : f32 to vector<128x64xf32>
    %slice3A_315 = vector.extract_strided_slice %add3A_287 {offsets = [0, 0], sizes = [896, 64], strides = [1, 1]} : vector<1024x64xf32> to vector<896x64xf32>
    %concatenate3A_316 = tpu.concatenate %broadcast_in_dim3A_314, %slice3A_315 in 0 : vector<128x64xf32>, vector<896x64xf32> -> vector<1024x64xf32>
    %mul3A_317 = vector.broadcast %mul3A_301 : vector<1024x1xf32> to vector<1024x64xf32>
    %mul3A_318 = arith.mulf %mul3A_317, %concatenate3A_316 : vector<1024x64xf32>
    %add3A_319 = arith.addf %add3A_287, %mul3A_318 : vector<1024x64xf32>
    %gt3A_320 = arith.constant 0.000000e+00 : f32
    %gt3A_321 = vector.broadcast %gt3A_320 : f32 to vector<1024x1xf32>
    %gt3A_322 = arith.cmpf ogt, %mul3A_301, %gt3A_321 : vector<1024x1xf32>
    %broadcast_in_dim3A_323 = arith.constant 0.000000e+00 : f32
    %broadcast_in_dim3A_324 = vector.broadcast %broadcast_in_dim3A_323 : f32 to vector<128x64xf32>
    %slice3A_325 = vector.extract_strided_slice %max3A_300 {offsets = [0, 0], sizes = [896, 64], strides = [1, 1]} : vector<1024x64xf32> to vector<896x64xf32>
    %concatenate3A_326 = tpu.concatenate %broadcast_in_dim3A_324, %slice3A_325 in 0 : vector<128x64xf32>, vector<896x64xf32> -> vector<1024x64xf32>
    %jit3A_327 = arith.constant 0.000000e+00 : f32
    %broadcast_in_dim3A_328 = vector.shape_cast %gt3A_322 : vector<1024x1xi1> to vector<1024x1xi1>
    %broadcast_in_dim3A_329 = vector.broadcast %broadcast_in_dim3A_328 : vector<1024x1xi1> to vector<1024x64xi1>
    %broadcast_in_dim3A_330 = vector.broadcast %jit3A_327 : f32 to vector<1024x64xf32>
    %select_n3A_331 = arith.select %broadcast_in_dim3A_329, %concatenate3A_326, %broadcast_in_dim3A_330 : vector<1024x64xi1>, vector<1024x64xf32>
    %max3A_332 = arith.maximumf %max3A_300, %select_n3A_331 : vector<1024x64xf32>
    %mul3A_333 = arith.mulf %mul3A_301, %concatenate3A_305 : vector<1024x1xf32>
    %broadcast_in_dim3A_334 = arith.constant 0.000000e+00 : f32
    %broadcast_in_dim3A_335 = vector.broadcast %broadcast_in_dim3A_334 : f32 to vector<256x1xf32>
    %slice3A_336 = vector.extract_strided_slice %mul3A_333 {offsets = [0, 0], sizes = [768, 1], strides = [1, 1]} : vector<1024x1xf32> to vector<768x1xf32>
    %concatenate3A_337 = tpu.concatenate %broadcast_in_dim3A_335, %slice3A_336 in 0 : vector<256x1xf32>, vector<768x1xf32> -> vector<1024x1xf32>
    %broadcast_in_dim3A_338 = arith.constant 0.000000e+00 : f32
    %broadcast_in_dim3A_339 = vector.broadcast %broadcast_in_dim3A_338 : f32 to vector<256x64xf32>
    %slice3A_340 = vector.extract_strided_slice %add3A_312 {offsets = [0, 0], sizes = [768, 64], strides = [1, 1]} : vector<1024x64xf32> to vector<768x64xf32>
    %concatenate3A_341 = tpu.concatenate %broadcast_in_dim3A_339, %slice3A_340 in 0 : vector<256x64xf32>, vector<768x64xf32> -> vector<1024x64xf32>
    %mul3A_342 = vector.broadcast %mul3A_333 : vector<1024x1xf32> to vector<1024x64xf32>
    %mul3A_343 = arith.mulf %mul3A_342, %concatenate3A_341 : vector<1024x64xf32>
    %add3A_344 = arith.addf %add3A_312, %mul3A_343 : vector<1024x64xf32>
    %broadcast_in_dim3A_345 = arith.constant 0.000000e+00 : f32
    %broadcast_in_dim3A_346 = vector.broadcast %broadcast_in_dim3A_345 : f32 to vector<256x64xf32>
    %slice3A_347 = vector.extract_strided_slice %add3A_319 {offsets = [0, 0], sizes = [768, 64], strides = [1, 1]} : vector<1024x64xf32> to vector<768x64xf32>
    %concatenate3A_348 = tpu.concatenate %broadcast_in_dim3A_346, %slice3A_347 in 0 : vector<256x64xf32>, vector<768x64xf32> -> vector<1024x64xf32>
    %mul3A_349 = vector.broadcast %mul3A_333 : vector<1024x1xf32> to vector<1024x64xf32>
    %mul3A_350 = arith.mulf %mul3A_349, %concatenate3A_348 : vector<1024x64xf32>
    %add3A_351 = arith.addf %add3A_319, %mul3A_350 : vector<1024x64xf32>
    %gt3A_352 = arith.constant 0.000000e+00 : f32
    %gt3A_353 = vector.broadcast %gt3A_352 : f32 to vector<1024x1xf32>
    %gt3A_354 = arith.cmpf ogt, %mul3A_333, %gt3A_353 : vector<1024x1xf32>
    %broadcast_in_dim3A_355 = arith.constant 0.000000e+00 : f32
    %broadcast_in_dim3A_356 = vector.broadcast %broadcast_in_dim3A_355 : f32 to vector<256x64xf32>
    %slice3A_357 = vector.extract_strided_slice %max3A_332 {offsets = [0, 0], sizes = [768, 64], strides = [1, 1]} : vector<1024x64xf32> to vector<768x64xf32>
    %concatenate3A_358 = tpu.concatenate %broadcast_in_dim3A_356, %slice3A_357 in 0 : vector<256x64xf32>, vector<768x64xf32> -> vector<1024x64xf32>
    %jit3A_359 = arith.constant 0.000000e+00 : f32
    %broadcast_in_dim3A_360 = vector.shape_cast %gt3A_354 : vector<1024x1xi1> to vector<1024x1xi1>
    %broadcast_in_dim3A_361 = vector.broadcast %broadcast_in_dim3A_360 : vector<1024x1xi1> to vector<1024x64xi1>
    %broadcast_in_dim3A_362 = vector.broadcast %jit3A_359 : f32 to vector<1024x64xf32>
    %select_n3A_363 = arith.select %broadcast_in_dim3A_361, %concatenate3A_358, %broadcast_in_dim3A_362 : vector<1024x64xi1>, vector<1024x64xf32>
    %max3A_364 = arith.maximumf %max3A_332, %select_n3A_363 : vector<1024x64xf32>
    %mul3A_365 = arith.mulf %mul3A_333, %concatenate3A_337 : vector<1024x1xf32>
    %broadcast_in_dim3A_366 = arith.constant 0.000000e+00 : f32
    %broadcast_in_dim3A_367 = vector.broadcast %broadcast_in_dim3A_366 : f32 to vector<512x64xf32>
    %slice3A_368 = vector.extract_strided_slice %add3A_344 {offsets = [0, 0], sizes = [512, 64], strides = [1, 1]} : vector<1024x64xf32> to vector<512x64xf32>
    %concatenate3A_369 = tpu.concatenate %broadcast_in_dim3A_367, %slice3A_368 in 0 : vector<512x64xf32>, vector<512x64xf32> -> vector<1024x64xf32>
    %mul3A_370 = vector.broadcast %mul3A_365 : vector<1024x1xf32> to vector<1024x64xf32>
    %mul3A_371 = arith.mulf %mul3A_370, %concatenate3A_369 : vector<1024x64xf32>
    %add3A_372 = arith.addf %add3A_344, %mul3A_371 : vector<1024x64xf32>
    %broadcast_in_dim3A_373 = arith.constant 0.000000e+00 : f32
    %broadcast_in_dim3A_374 = vector.broadcast %broadcast_in_dim3A_373 : f32 to vector<512x64xf32>
    %slice3A_375 = vector.extract_strided_slice %add3A_351 {offsets = [0, 0], sizes = [512, 64], strides = [1, 1]} : vector<1024x64xf32> to vector<512x64xf32>
    %concatenate3A_376 = tpu.concatenate %broadcast_in_dim3A_374, %slice3A_375 in 0 : vector<512x64xf32>, vector<512x64xf32> -> vector<1024x64xf32>
    %mul3A_377 = vector.broadcast %mul3A_365 : vector<1024x1xf32> to vector<1024x64xf32>
    %mul3A_378 = arith.mulf %mul3A_377, %concatenate3A_376 : vector<1024x64xf32>
    %add3A_379 = arith.addf %add3A_351, %mul3A_378 : vector<1024x64xf32>
    %gt3A_380 = arith.constant 0.000000e+00 : f32
    %gt3A_381 = vector.broadcast %gt3A_380 : f32 to vector<1024x1xf32>
    %gt3A_382 = arith.cmpf ogt, %mul3A_365, %gt3A_381 : vector<1024x1xf32>
    %broadcast_in_dim3A_383 = arith.constant 0.000000e+00 : f32
    %broadcast_in_dim3A_384 = vector.broadcast %broadcast_in_dim3A_383 : f32 to vector<512x64xf32>
    %slice3A_385 = vector.extract_strided_slice %max3A_364 {offsets = [0, 0], sizes = [512, 64], strides = [1, 1]} : vector<1024x64xf32> to vector<512x64xf32>
    %concatenate3A_386 = tpu.concatenate %broadcast_in_dim3A_384, %slice3A_385 in 0 : vector<512x64xf32>, vector<512x64xf32> -> vector<1024x64xf32>
    %jit3A_387 = arith.constant 0.000000e+00 : f32
    %broadcast_in_dim3A_388 = vector.shape_cast %gt3A_382 : vector<1024x1xi1> to vector<1024x1xi1>
    %broadcast_in_dim3A_389 = vector.broadcast %broadcast_in_dim3A_388 : vector<1024x1xi1> to vector<1024x64xi1>
    %broadcast_in_dim3A_390 = vector.broadcast %jit3A_387 : f32 to vector<1024x64xf32>
    %select_n3A_391 = arith.select %broadcast_in_dim3A_389, %concatenate3A_386, %broadcast_in_dim3A_390 : vector<1024x64xi1>, vector<1024x64xf32>
    %max3A_392 = arith.maximumf %max3A_364, %select_n3A_391 : vector<1024x64xf32>
    %get3A_393 = arith.constant 0 : index
    %get3A_394 = arith.constant 0 : index
    %get3A_395 = vector.load %arg12[%get3A_393, %get3A_394] : memref<1x64xf32, #tpu.memory_space<vmem>>, vector<1x64xf32>
    %slice3A_396 = vector.extract_strided_slice %add3A_372 {offsets = [0, 0], sizes = [1023, 64], strides = [1, 1]} : vector<1024x64xf32> to vector<1023x64xf32>
    %concatenate3A_397 = tpu.concatenate %get3A_395, %slice3A_396 in 0 : vector<1x64xf32>, vector<1023x64xf32> -> vector<1024x64xf32>
    %get3A_398 = arith.constant 0 : index
    %get3A_399 = arith.constant 0 : index
    %get3A_400 = vector.load %arg13[%get3A_398, %get3A_399] : memref<1x64xf32, #tpu.memory_space<vmem>>, vector<1x64xf32>
    %slice3A_401 = vector.extract_strided_slice %add3A_379 {offsets = [0, 0], sizes = [1023, 64], strides = [1, 1]} : vector<1024x64xf32> to vector<1023x64xf32>
    %concatenate3A_402 = tpu.concatenate %get3A_400, %slice3A_401 in 0 : vector<1x64xf32>, vector<1023x64xf32> -> vector<1024x64xf32>
    %get3A_403 = arith.constant 0 : index
    %get3A_404 = arith.constant 0 : index
    %get3A_405 = vector.load %arg14[%get3A_403, %get3A_404] : memref<1x64xf32, #tpu.memory_space<vmem>>, vector<1x64xf32>
    %slice3A_406 = vector.extract_strided_slice %max3A_392 {offsets = [0, 0], sizes = [1023, 64], strides = [1, 1]} : vector<1024x64xf32> to vector<1023x64xf32>
    %concatenate3A_407 = tpu.concatenate %get3A_405, %slice3A_406 in 0 : vector<1x64xf32>, vector<1023x64xf32> -> vector<1024x64xf32>
    %not3A = arith.constant dense<true> : vector<1024x1xi1>
    %not3A_408 = arith.xori %eq3A_46, %not3A : vector<1024x1xi1>
    %ge3A = arith.constant 0 : i32
    %ge3A_409 = vector.broadcast %ge3A : i32 to vector<1024x1xi32>
    %ge3A_410 = arith.cmpi sge, %concatenate3A, %ge3A_409 : vector<1024x1xi32>
    %and3A_411 = arith.andi %not3A_408, %ge3A_410 : vector<1024x1xi1>
    %div3A = arith.divf %concatenate3A_397, %concatenate3A_402 : vector<1024x64xf32>
    %add3A_412 = arith.addf %div3A, %concatenate3A_407 : vector<1024x64xf32>
    %mul3A_413 = arith.constant 5.000000e-01 : f32
    %mul3A_414 = vector.broadcast %mul3A_413 : f32 to vector<1024x64xf32>
    %mul3A_415 = arith.mulf %add3A_412, %mul3A_414 : vector<1024x64xf32>
    %broadcast_in_dim3A_416 = arith.constant 0.000000e+00 : f32
    %broadcast_in_dim3A_417 = vector.broadcast %broadcast_in_dim3A_416 : f32 to vector<1024x64xf32>
    %concatenate3A_418 = tpu.concatenate %mul3A_415, %broadcast_in_dim3A_417 in 1 : vector<1024x64xf32>, vector<1024x64xf32> -> vector<1024x128xf32>
    %jit3A_419 = arith.constant 0.000000e+00 : f32
    %broadcast_in_dim3A_420 = vector.shape_cast %and3A_411 : vector<1024x1xi1> to vector<1024x1xi1>
    %broadcast_in_dim3A_421 = vector.broadcast %broadcast_in_dim3A_420 : vector<1024x1xi1> to vector<1024x128xi1>
    %broadcast_in_dim3A_422 = vector.broadcast %jit3A_419 : f32 to vector<1024x128xf32>
    %select_n3A_423 = arith.select %broadcast_in_dim3A_421, %concatenate3A_418, %broadcast_in_dim3A_422 : vector<1024x128xi1>, vector<1024x128xf32>
    %swap3A = arith.constant 0 : index
    %swap3A_424 = arith.constant 0 : index
    %swap3A_425 = vector.load %arg9[%swap3A, %swap3A_424] : memref<1024x128xf32, #tpu.memory_space<vmem>>, vector<1024x128xf32>
    tpu.vector_store %arg9[%swap3A, %swap3A_424], %select_n3A_423 {strides = array<i32>} : memref<1024x128xf32, #tpu.memory_space<vmem>>, vector<1024x128xf32>,
    %jit3A_426 = arith.constant 214272 : i32
    %broadcast_in_dim3A_427 = vector.broadcast %jit3A_426 : i32 to vector<1024x1xi32>
    %select_n3A_428 = arith.select %and3A_411, %concatenate3A, %broadcast_in_dim3A_427 : vector<1024x1xi1>, vector<1024x1xi32>
    %swap3A_429 = arith.constant 0 : index
    %swap3A_430 = arith.constant 0 : index
    %swap3A_431 = vector.load %arg10[%swap3A_429, %swap3A_430] : memref<1024x1xi32, #tpu.memory_space<vmem>>, vector<1024x1xi32>
    tpu.vector_store %arg10[%swap3A_429, %swap3A_430], %select_n3A_428 {strides = array<i32>} : memref<1024x1xi32, #tpu.memory_space<vmem>>, vector<1024x1xi32>,
    %slice3A_432 = vector.extract_strided_slice %get3A_6 {offsets = [1023, 0], sizes = [1, 1], strides = [1, 1]} : vector<1024x1xi32> to vector<1x1xi32>
    %swap3A_433 = arith.constant 0 : index
    %swap3A_434 = arith.constant 0 : index
    %swap3A_435 = vector.load %arg11[%swap3A_433, %swap3A_434] : memref<1x1xi32, #tpu.memory_space<vmem>>, vector<1x1xi32>
    tpu.vector_store %arg11[%swap3A_433, %swap3A_434], %slice3A_432 {strides = array<i32>} : memref<1x1xi32, #tpu.memory_space<vmem>>, vector<1x1xi32>,
    %slice3A_436 = vector.extract_strided_slice %add3A_372 {offsets = [1023, 0], sizes = [1, 64], strides = [1, 1]} : vector<1024x64xf32> to vector<1x64xf32>
    %swap3A_437 = arith.constant 0 : index
    %swap3A_438 = arith.constant 0 : index
    %swap3A_439 = vector.load %arg12[%swap3A_437, %swap3A_438] : memref<1x64xf32, #tpu.memory_space<vmem>>, vector<1x64xf32>
    tpu.vector_store %arg12[%swap3A_437, %swap3A_438], %slice3A_436 {strides = array<i32>} : memref<1x64xf32, #tpu.memory_space<vmem>>, vector<1x64xf32>,
    %slice3A_440 = vector.extract_strided_slice %add3A_379 {offsets = [1023, 0], sizes = [1, 64], strides = [1, 1]} : vector<1024x64xf32> to vector<1x64xf32>
    %swap3A_441 = arith.constant 0 : index
    %swap3A_442 = arith.constant 0 : index
    %swap3A_443 = vector.load %arg13[%swap3A_441, %swap3A_442] : memref<1x64xf32, #tpu.memory_space<vmem>>, vector<1x64xf32>
    tpu.vector_store %arg13[%swap3A_441, %swap3A_442], %slice3A_440 {strides = array<i32>} : memref<1x64xf32, #tpu.memory_space<vmem>>, vector<1x64xf32>,
    %slice3A_444 = vector.extract_strided_slice %max3A_392 {offsets = [1023, 0], sizes = [1, 64], strides = [1, 1]} : vector<1024x64xf32> to vector<1x64xf32>
    %swap3A_445 = arith.constant 0 : index
    %swap3A_446 = arith.constant 0 : index
    %swap3A_447 = vector.load %arg14[%swap3A_445, %swap3A_446] : memref<1x64xf32, #tpu.memory_space<vmem>>, vector<1x64xf32>
    tpu.vector_store %arg14[%swap3A_445, %swap3A_446], %slice3A_444 {strides = array<i32>} : memref<1x64xf32, #tpu.memory_space<vmem>>, vector<1x64xf32>,
    return
  }
  func.func @transform_0(%arg0: i32) -> (i32, i32) {
    %c0_i32 = arith.constant 0 : i32
    %c0_i32_0 = arith.constant 0 : i32
    return %arg0, %c0_i32 : i32, i32
  }
  func.func @transform_1(%arg0: i32) -> (i32, i32) {
    %c0_i32 = arith.constant 0 : i32
    %c0_i32_0 = arith.constant 0 : i32
    return %arg0, %c0_i32 : i32, i32
  }
  func.func @transform_2(%arg0: i32) -> (i32, i32) {
    %c0_i32 = arith.constant 0 : i32
    %c0_i32_0 = arith.constant 0 : i32
    %c0_i32_1 = arith.constant 0 : i32
    return %c0_i32, %c0_i32_0 : i32, i32
  }
  func.func @transform_3(%arg0: i32) -> (i32, i32) {
    %c0_i32 = arith.constant 0 : i32
    %c0_i32_0 = arith.constant 0 : i32
    %c0_i32_1 = arith.constant 0 : i32
    return %c0_i32, %c0_i32_0 : i32, i32
  }
  func.func @transform_4(%arg0: i32) -> (i32, i32) {
    %c0_i32 = arith.constant 0 : i32
    %c0_i32_0 = arith.constant 0 : i32
    %c0_i32_1 = arith.constant 0 : i32
    return %c0_i32, %c0_i32_0 : i32, i32
  }
  func.func @transform_5(%arg0: i32) -> (i32, i32) {
    %c0_i32 = arith.constant 0 : i32
    %c0_i32_0 = arith.constant 0 : i32
    %c0_i32_1 = arith.constant 0 : i32
    return %c0_i32, %c0_i32_0 : i32, i32
  }
  func.func @transform_6(%arg0: i32) -> (i32, i32) {
    %c0_i32 = arith.constant 0 : i32
    %c0_i32_0 = arith.constant 0 : i32
    %c0_i32_1 = arith.constant 0 : i32
    return %c0_i32, %c0_i32_0 : i32, i32
  }
  func.func @transform_7(%arg0: i32) -> (i32, i32) {
    %c0_i32 = arith.constant 0 : i32
    %c0_i32_0 = arith.constant 0 : i32
    %c0_i32_1 = arith.constant 0 : i32
    return %c0_i32, %c0_i32_0 : i32, i32
  }
  func.func @transform_8(%arg0: i32) -> (i32, i32) {
    %c0_i32 = arith.constant 0 : i32
    %c0_i32_0 = arith.constant 0 : i32
    return %arg0, %c0_i32 : i32, i32
  }
  func.func @transform_9(%arg0: i32) -> (i32, i32) {
    %c0_i32 = arith.constant 0 : i32
    %c0_i32_0 = arith.constant 0 : i32
    return %arg0, %c0_i32 : i32, i32
  }
}

</mosaic_0001>

<sc_bundles>
// kernel: gather_offload_async_start.1
scs
__scs_entry_jumppad:
0x0: {  	(pc) =	sbr.rel $0x88, $3  }
0x1: {  	(tag) =	ssettag $0x0;
	lr =	simm.s32 $0x1  }
0x2: {  	[smem:$0x3F9A] =	sst lr;
	_ =	strace $0xD0000000  }
0x3: {  	_ = 	snop  }
0x4: {  	_ = 	snop  }
0x5: {  	_ = 	snop  }
0x6: {  	_ = 	snop  }
0x7: {  	_ = 	snop  }
__scs_overlays_trampoline_lowered:
0x8: {  	[smem:$0x3FA9] =	sst s0  }
0x9: {  	[smem:$0x3FAA] =	sst s1  }
0xa: {  	[smem:$0x3FAB] =	sst s2  }
0xb: {  	[smem:$0x3FAC] =	sst s3  }
0xc: {  	[smem:$0x3FAD] =	sst s4  }
0xd: {  	[smem:$0x3FAE] =	sst s5  }
0xe: {  	[smem:$0x3FAF] =	sst s6  }
0xf: {  	[smem:$0x3FB0] =	sst s7  }
0x10: {  	[smem:$0x3FB1] =	sst s8  }
0x11: {  	[smem:$0x3FB2] =	sst s9;
	s0 =	simm.s32 @!p0 $0x0  }
0x12: {  	s1 =	sld [smem:$0x3F98];
	s0 =	simm.s32 @p0 $0x1  }
0x13: {  	[smem:$0x3FB3] =	sst s0;
	s0 =	simm.s32 @!p1 $0x0  }
0x14: {  	s2 =	sld [smem:$0x3F97];
	s0 =	simm.s32 @p1 $0x1  }
0x15: {  	[smem:$0x3FB4] =	sst s0;
	s0 =	simm.s32 @!p2 $0x0  }
0x16: {  	s3 =	sld [smem:$0x3FDB];
	s0 =	simm.s32 @p2 $0x1  }
0x17: {  	s4 =	simm.s32 $0x1BF5;
	[smem:$0x3FB6] =	sst s0  }
0x18: {  	s0 =	sld [smem:$0x3F99];
	_ =	swait.ge [sflag:s4], $0x0  }
0x19: {  	s7 =	sld [smem:$0x3F9A]  }
0x1a: {  	s8 =	sadd.s32 $0xFFFFE003, lr  }
0x1b: {  	s9 =	sadd.s32 $0xFFFFFEF7, lr;
	s5 =	simm.s32 $0xFFFFFFFF;
	p2 =	slt.u32 s8, $0xFFFFF086  }
0x1c: {  	p1 =	slt.u32 s9, $0xF7A;
	s5 =	simm.s32 @!p2 $0x0  }
0x1d: {  	s5 =	simm.s32 @p1 $0x1;
	p0 =	seq.s32 s7, s2  }
0x1e: {  	s7 =	smul.u32 @!p0 $0xF7A, s2;
	p2 =	seq.s32 @!p0 s5, $0x0  }
0x1f: {  	s9 =	smul.u32 $0xF7A, s1;
	s8 =	simm.s32 @!p0 $0x1BF5;
	p2 =	por !p2, p0  }
0x20: {  	[sflag:s8] =	ssyncset.s32 @!p0 $0xFFFFF086;
	s6 =	sadd.s32 @!p0 s3, s7;
	s7 =	simm.s32 @!p0 $0x108  }
0x21: {  	s3 =	sadd.s32 s3, s9;
	s6 =	sadd.s32 @!p0 $0x88, s6;
	s7 =	simm.s32 @p2 $0x1082  }
0x22: {  	[simem:s7], [sflag:s8] =	dma.local @!p0 [hbm:s6], $0xF7A  }
0x23: {  	s9 =	sor.u32 $0xD0000000, s2;
	s6 =	simm.s32 $0x108;
	_ =	swait.ge @!p0 [sflag:s8], $0x0  }
0x24: {  	s3 =	sadd.s32 $0x88, s3;
	s6 =	simm.s32 @!p1 $0x1082;
	[sflag:s4] =	ssyncset.s32 $0xFFFFF086  }
0x25: {  	[simem:s6], [sflag:s4] =	dma.local [hbm:s3], $0xF7A  }
0x26: {  	[smem:$0x3F9A] =	sst s1;
	(tag) =	ssettag s2;
	_ =	strace s9  }
0x27: {  	s1 =	sld [smem:$0x3FAA]  }
0x28: {  	s2 =	sld [smem:$0x3FAB]  }
0x29: {  	s4 =	sld [smem:$0x3FAD]  }
0x2a: {  	p0 =	seq.s32 s5, $0x0;
	s5 =	sld [smem:$0x3FAE]  }
0x2b: {  	s6 =	sld [smem:$0x3FAF]  }
0x2c: {  	s7 =	sld [smem:$0x3FB0]  }
0x2d: {  	s3 =	simm.s32 $0x108;
	s8 =	sld [smem:$0x3FB1]  }
0x2e: {  	s3 =	simm.s32 @!p0 $0x1082;
	s9 =	sld [smem:$0x3FB2]  }
0x2f: {  	lr =	sadd.s32 s0, s3;
	s0 =	sld [smem:$0x3FA9]  }
0x30: {  	s3 =	sld [smem:$0x3FAC]  }
0x31: {  	[smem:$0x3FB5] =	sst s10  }
0x32: {  	s10 =	sld [smem:$0x3FB3];
	_ =	sdelay $0x3  }
0x33: {  	p0 =	seq.s32 s10, $0x1;
	s10 =	sld [smem:$0x3FB5];
	_ =	sdelay $0x3  }
0x34: {  	[smem:$0x3FB5] =	sst s10  }
0x35: {  	s10 =	sld [smem:$0x3FB4];
	_ =	sdelay $0x3  }
0x36: {  	p1 =	seq.s32 s10, $0x1;
	s10 =	sld [smem:$0x3FB5];
	_ =	sdelay $0x3  }
0x37: {  	[smem:$0x3FB5] =	sst s10  }
0x38: {  	s10 =	sld [smem:$0x3FB6]  }
0x39: {  	_ = 	snop;
	(pc) =	sbr.ind lr, $3  }
0x3a: {  	_ = 	snop  }
0x3b: {  	_ = 	snop  }
0x3c: {  	p2 =	seq.s32 s10, $0x1;
	s10 =	sld [smem:$0x3FB5]  }
0x3d: {  	_ =	shalt  }
0x3e: {  	_ =	shalt  }
0x3f: {  	_ =	shalt  }
0x40: {  	_ =	shalt  }
0x41: {  	_ =	shalt  }
0x42: {  	_ =	shalt  }
0x43: {  	_ =	shalt  }
0x44: {  	_ =	shalt  }
0x45: {  	_ =	shalt  }
0x46: {  	_ =	shalt  }
0x47: {  	_ =	shalt  }
0x48: {  	_ =	shalt  }
0x49: {  	_ =	shalt  }
0x4a: {  	_ =	shalt  }
0x4b: {  	_ =	shalt  }
0x4c: {  	_ =	shalt  }
0x4d: {  	_ =	shalt  }
0x4e: {  	_ =	shalt  }
0x4f: {  	_ =	shalt  }
0x50: {  	_ =	shalt  }
0x51: {  	_ =	shalt  }
0x52: {  	_ =	shalt  }
0x53: {  	_ =	shalt  }
0x54: {  	_ =	shalt  }
0x55: {  	_ =	shalt  }
0x56: {  	_ =	shalt  }
0x57: {  	_ =	shalt  }
0x58: {  	_ =	shalt  }
0x59: {  	_ =	shalt  }
0x5a: {  	_ =	shalt  }
0x5b: {  	_ =	shalt  }
0x5c: {  	_ =	shalt  }
0x5d: {  	_ =	shalt  }
0x5e: {  	_ =	shalt  }
0x5f: {  	_ =	shalt  }
0x60: {  	_ =	shalt  }
0x61: {  	_ =	shalt  }
0x62: {  	_ =	shalt  }
0x63: {  	_ =	shalt  }
0x64: {  	_ =	shalt  }
0x65: {  	_ =	shalt  }
0x66: {  	_ =	shalt  }
0x67: {  	_ =	shalt  }
0x68: {  	_ =	shalt  }
0x69: {  	_ =	shalt  }
0x6a: {  	_ =	shalt  }
0x6b: {  	_ =	shalt  }
0x6c: {  	_ =	shalt  }
0x6d: {  	_ =	shalt  }
0x6e: {  	_ =	shalt  }
0x6f: {  	_ =	shalt  }
0x70: {  	_ =	shalt  }
0x71: {  	_ =	shalt  }
0x72: {  	_ =	shalt  }
0x73: {  	_ =	shalt  }
0x74: {  	_ =	shalt  }
0x75: {  	_ =	shalt  }
0x76: {  	_ =	shalt  }
0x77: {  	_ =	shalt  }
0x78: {  	_ =	shalt  }
0x79: {  	_ =	shalt  }
0x7a: {  	_ =	shalt  }
0x7b: {  	_ =	shalt  }
0x7c: {  	_ =	shalt  }
0x7d: {  	_ =	shalt  }
0x7e: {  	_ =	shalt  }
0x7f: {  	_ =	shalt  }
0x80: {  	_ =	shalt  }
0x81: {  	_ =	shalt  }
0x82: {  	_ =	shalt  }
0x83: {  	_ =	shalt  }
0x84: {  	_ =	shalt  }
0x85: {  	_ =	shalt  }
0x86: {  	_ =	shalt  }
0x87: {  	_ =	shalt  }
.Lfunc_end0:
.L_simem_size_0:
called_computation.2_lowered:
.L_overlay_start_0:
0x88: {  	s2 =	sld [smem:$0x3FD9]  }
0x89: {  	s3 =	sld [smem:$0x3FFE];
	_ =	sdelay $0x1  }
0x8a: {  	s1 =	srdreg.scid  }
0x8b: {  	s0 =	sand.u32 $0x1, s1  }
0x8c: {  	s17 =	sshll.u32 s0, $0xA;
	s2 =	sadd.s32 s3, s2  }
0x8d: {  	s2 =	sadd.s32 s2, s17  }
0x8e: {  	[smem:$0x3FC1] =	sst s2  }
0x8f: {  	_ = 	snop  }
0x90: {  	s18 =	sld [smem:$0x3FD0];
	(tm) =	ssettm $0x1  }
0x91: {  	s19 =	sld [smem:$0x3FFB];
	_ =	sdelay $0x3  }
0x92: {  	_ =	strace s19  }
0x93: {  	s2 =	sld [smem:$0x3FFC];
	_ =	sdelay $0x3  }
0x94: {  	_ =	strace s2  }
0x95: {  	s2 =	sld [smem:$0x3FFD];
	_ =	sdelay $0x3  }
0x96: {  	_ =	strace s2  }
0x97: {  	_ =	strace $0x8FFFFFFF  }
0x98: {  	s20 =	sld [smem:$0x3FDB];
	_ =	sdelay $0x1  }
0x99: {  	s4 =	simm.s32 $_scs_section_size  }
0x9a: {  	s5 =	simm.s32 $_size__tile_overlayer_lowered;
	s6 =	simm.s32 $_tile_overlayer_lowered  }
0x9b: {  	s7 =	simm.s32 $0x1BFF;
	s21 =	sshll.u32 s6, $0x1;
	s4 =	sadd.s32 s4, s20  }
0x9c: {  	s22 =	simm.s32 $0x0;
	s5 =	sshll.u32 s5, $0x1;
	s6 =	sadd.s32 s21, s4  }
0x9d: {  	[timem:s22], [sflag:s7] =	dma.local [hbm:s6], s5  }
0x9e: {  	_ =	swait.ge [sflag:s7], s5  }
0x9f: {  	s5 =	ssub.s32 $0x0, s5;
	[sflag:s7] =	ssyncset.done $0x0  }
0xa0: {  	[sflag:s7] =	ssyncadd.s32 s5;
	_ =	sdelay $0x1  }
0xa1: {  	s23 =	simm.s32 $0x1B8B  }
0xa2: {  	_ =	swait.ge [sflag:s23], $0x1  }
0xa3: {  	[sflag:s23] =	ssyncset.done $0x0  }
0xa4: {  	[sflag:s23] =	ssyncadd.s32 $0xFFFFFFFF  }
0xa5: {  	s5 =	sld [smem:$0x0]  }
0xa6: {  	s6 =	sand.u32 $0xFFFFFFFE, s1  }
0xa7: {  	p0 =	sne.s32 s1, s6  }
0xa8: {  	s6 =	sshll.u32 @p0 s6, $0xE  }
0xa9: {  	s6 =	sadd.s32 @p0 $0x11B8D, s6;
	s7 =	sshll.u32 @p0 s5, $0x11  }
0xaa: {  	s6 =	sor.u32 @p0 s7, s6  }
0xab: {  	[sflag:s6] =	ssyncadd.remote.s32 @p0 $0x1;
	_ =	sdelay $0x1  }
0xac: {  	s6 =	simm.s32 @p0 $0x1B8D  }
0xad: {  	_ =	swait.eq @p0 [sflag:s6], $0x1  }
0xae: {  	[sflag:s6] =	ssyncadd.s32 @p0 $0xFFFFFFFF  }
0xaf: {  	s7 =	sshll.u32 @!p0 s1, $0xE  }
0xb0: {  	s7 =	sor.u32 @!p0 $0x4000, s7;
	s6 =	simm.s32 @!p0 $0x1B8D  }
0xb1: {  	s5 =	sshll.u32 @!p0 s5, $0x11;
	s7 =	sadd.s32 @!p0 $0x11B8D, s7;
	_ =	swait.eq @!p0 [sflag:s6], $0x1  }
0xb2: {  	s5 =	sor.u32 @!p0 s5, s7;
	[sflag:s6] =	ssyncadd.s32 @!p0 $0xFFFFFFFF  }
0xb3: {  	s25 =	simm.s32 $0x1B8E;
	s24 =	sld [smem:$0x3FFE];
	[sflag:s5] =	ssyncadd.remote.s32 @!p0 $0x1  }
0xb4: {  	s26 =	simm.s32 $execute0_lowered;
	[smem:$0x3FD2] =	sst s25  }
0xb5: {  	s6 =	sshll.u32 s26, $0x1;
	_ =	strace $0x80000049;
	[dreg:$0x1] =	wrdreg $0xFFFFFFFF  }
0xb6: {  	s28 =	simm.s32 $_size_execute0_lowered;
	s4 =	sadd.s32 s4, s6;
	[dreg:$0x0] =	wrdreg $0x0  }
0xb7: {  	s6 =	sshll.u32 s28, $0x1;
	[dreg:$0x2] =	wrdreg s4  }
0xb8: {  	[dreg:$0x3] =	wrdreg s6  }
0xb9: {  	[dreg:$0x4] =	wrdreg $0xC0  }
0xba: {  	_ =	task [dreg:s22], $0x5FFFF  }
0xbb: {  	[dreg:$0x1] =	wrdreg $0xFFFFFFFF  }
0xbc: {  	[dreg:$0x0] =	wrdreg $0x60  }
0xbd: {  	[dreg:$0x2] =	wrdreg s18  }
0xbe: {  	[dreg:$0x3] =	wrdreg s24  }
0xbf: {  	[dreg:$0x4] =	wrdreg $0xA  }
0xc0: {  	_ =	task.clear_ibuf [dreg:s22], $0x5FFFF;
	_ =	strace $0x90000049  }
0xc1: {  	s29 =	simm.s32 $0xA;
	_ =	strace $0x8000004B  }
0xc2: {  	_ =	swait.ge [sflag:s29], $0x1  }
0xc3: {  	[sflag:s29] =	ssyncadd.s32 $0xFFFFFFFF  }
0xc4: {  	_ =	strace $0x9000004B  }
0xc5: {  	_ =	sfence  }
0xc6: {  	s30 =	sld [smem:$0x0];
	_ =	sdelay $0x2  }
0xc7: {  	s31 =	sshll.u32 s1, $0xD;
	s1 =	sshrl.u32 s1, $0x2  }
0xc8: {  	s4 =	sand.u32 $0x4000, s31;
	s1 =	sadd.s32 s1, s30  }
0xc9: {  	s0 =	sor.u32 s4, s0;
	s1 =	sshll.u32 s1, $0x11  }
0xca: {  	s0 =	sor.u32 s1, s0  }
0xcb: {  	s0 =	sadd.s32 $0x8F2B, s0  }
0xcc: {  	[sflag:s0] =	ssyncadd.remote.s32 $0x1  }
0xcd: {  	_ =	sfence.sel $0xFFFF  }
0xce: {  	[dreg:$0x0] =	wrdreg $0xFFFFFFFF;
	(pc) =	sbr.abs _section_cstart, $3  }
0xcf: {  	[dreg:$0x1] =	wrdreg $0xFFFFFFFF  }
0xd0: {  	_ =	task.clear_ibuf [dreg:s22], $0x2FFFF;
	_ =	strace $0x9FFFFFFF  }
0xd1: {  	(tm) =	ssettm $0x7FFFFFFF  }
tec
execute0_lowered:
.L_overlay_start_1:
0x0: {  	(tag) =	ssettag $0x1  }
0x1: {  	s1 =	srdreg.scid;
	s2 =	rddreg [dreg:$0x0]  }
0x2: {  	s0 =	stileid.u32;
	s5 =	rddreg [dreg:$0x1];
	s6 =	simm.s32 $0x1  }
0x3: {  	s9 =	simm.s32 $0x1;
	s10 =	simm.s32 $0x3;
	s1 =	sshll.u32 s1, $0x7  }
0x4: {  	s13 =	simm.s32 $0x0;
	s3 =	sshll.u32 s0, $0x8;
	s4 =	sand.u32 $0x80, s1  }
0x5: {  	s12 =	simm.s32 $0x0;
	s1 =	rddreg [dreg:$0x2];
	s3 =	sor.u32 s3, s4  }
0x6: {  	_ =	strace $0x8000004A;
	s4 =	sadd.s32 $0xC400, s5;
	s8 =	ssub.s32 $0x61A80, s3  }
.Ltmp0:
0x7: {  	s5 =	sadd.s32 $0x55A00, s5;
	s7 =	sand.u32 $0xF80, s8;
	(pc) =	sbr.rel .LBB2_1-.Ltmp0, $4  }
0x8: {  	[sflag:s6] =	ssyncpa.u1 $0x0;
	s11 =	smov.u32 s3;
	p0 =	sne.s32 s7, $0x0  }
0x9: {  	s8 =	sshrl.u32 s8, $0xC;
	s7 =	simm.s32 $0x2;
	s9 =	simm.s32 @!p0 $0x0  }
0xa: {  	[sflag:s7] =	ssyncpa.u1 $0x0;
	p0 =	por $0x0, $0x0;
	s8 =	sadd.s32 s9, s8  }
0xb: {  	vm0 =	vmmov $0xffff;
	v0 =	vlaneseq.u32;
	[sflag:s10] =	ssyncpa.u1 $0x0;
	s10 =	simm.s32 $0x0;
	s9 =	sadd.s32 $0x1, s8  }
.LBB2_4:
0xc: {  	_ =	sdelay $0x3  }
0xd: {  	[tilespmem:s21], [sflag:$0x1] =	stream.indirect_vreg.gather [hbm4b:s2+s10], $0x1, v1, vm0, $0x4038;
	[tilespmem:$0x900] =	vst v63  }
0xe: {  	s15 =	sadd.s32 s17, s15  }
0xf: {  	v1 =	vld.msk [tilespmem:s15+$0x0 ss:$0x1], $0xffff;
	_ =	sdelay $0x4  }
0x10: {  	vm1 =	vgt.s32 v1, $0x0  }
0x11: {  	p1 =	sgt.s32 s18, $0x0;
	v1 =	vnsel vm1, $0x0, v1  }
0x12: {  	s18 =	simm.s32 @!p1 $0x0;
	v1 =	vmin.u32 v1, $0x61A7F  }
0x13: {  	s22 =	smin.u32 s18, $0x10;
	v2 =	vshll.u32 v1, $0x3  }
0x14: {  	v3 =	vmov s22;
	v1 =	vand.u32 $0x7F, v1;
	v2 =	vand.u32 $0x3FFC00, v2  }
0x15: {  	vm1 =	vgt.u32 v3, v0;
	v1 =	vor.u32 v1, v2  }
0x16: {  	v2 =	vnsel vm1, $0x7FFFFFFF, v1;
	_ =	sdelay $0x1  }
0x17: {  	v3 =	vor.u32 $0x80, v1  }
0x18: {  	(ifvalue) =	ssetifvalue $0x7FFFFFFF;
	v3 =	vnsel vm1, $0x7FFFFFFF, v3  }
0x19: {  	s23 =	sadd.s32 s17, s16;
	(ifvalue) =	ssetifvalue $0x7FFFFFFF  }
0x1a: {  	v4 =	vor.u32 $0x100, v1;
	[tilespmem:s23], [sflag:$0x1] =	stream.indirect_vreg.gather [hbm4b:s2+s10], $0x1, v2, vm0, $0x4038;
	[tilespmem:$0x900] =	vst v63  }
0x1b: {  	(ifvalue) =	ssetifvalue $0x7FFFFFFF;
	v2 =	vnsel vm1, $0x7FFFFFFF, v4  }
0x1c: {  	s16 =	sadd.s32 $0x80, s23;
	(ifvalue) =	ssetifvalue $0x7FFFFFFF  }
0x1d: {  	v60 =	vor.u32 $0x180, v1;
	[tilespmem:s16], [sflag:$0x1] =	stream.indirect_vreg.gather [hbm4b:s2+s10], $0x1, v3, vm0, $0x4038;
	[tilespmem:$0x900] =	vst v63  }
0x1e: {  	v3 =	vnsel vm1, $0x7FFFFFFF, v60;
	(ifvalue) =	ssetifvalue $0x7FFFFFFF  }
0x1f: {  	s24 =	sadd.s32 $0x100, s23;
	(ifvalue) =	ssetifvalue $0x7FFFFFFF  }
0x20: {  	v61 =	vor.u32 $0x200, v1;
	[tilespmem:s24], [sflag:$0x1] =	stream.indirect_vreg.gather [hbm4b:s2+s10], $0x1, v2, vm0, $0x4038;
	[tilespmem:$0x900] =	vst v63  }
0x21: {  	(ifvalue) =	ssetifvalue $0x7FFFFFFF;
	v2 =	vnsel vm1, $0x7FFFFFFF, v61  }
0x22: {  	s25 =	sadd.s32 $0x180, s23;
	(ifvalue) =	ssetifvalue $0x7FFFFFFF  }
0x23: {  	v62 =	vor.u32 $0x280, v1;
	[tilespmem:s25], [sflag:$0x1] =	stream.indirect_vreg.gather [hbm4b:s2+s10], $0x1, v3, vm0, $0x4038;
	[tilespmem:$0x900] =	vst v63  }
0x24: {  	v3 =	vnsel vm1, $0x7FFFFFFF, v62;
	(ifvalue) =	ssetifvalue $0x7FFFFFFF  }
0x25: {  	s26 =	sadd.s32 $0x200, s23;
	(ifvalue) =	ssetifvalue $0x7FFFFFFF  }
0x26: {  	v63 =	vor.u32 $0x300, v1;
	[tilespmem:s26], [sflag:$0x1] =	stream.indirect_vreg.gather [hbm4b:s2+s10], $0x1, v2, vm0, $0x4038;
	[tilespmem:$0x900] =	vst v63  }
0x27: {  	(ifvalue) =	ssetifvalue $0x7FFFFFFF;
	v2 =	vnsel vm1, $0x7FFFFFFF, v63  }
0x28: {  	s28 =	sadd.s32 $0x280, s23;
	(ifvalue) =	ssetifvalue $0x7FFFFFFF  }
0x29: {  	v1 =	vor.u32 $0x380, v1;
	[tilespmem:s28], [sflag:$0x1] =	stream.indirect_vreg.gather [hbm4b:s2+s10], $0x1, v3, vm0, $0x4038;
	[tilespmem:$0x900] =	vst v63  }
0x2a: {  	v1 =	vnsel vm1, $0x7FFFFFFF, v1;
	(ifvalue) =	ssetifvalue $0x7FFFFFFF  }
0x2b: {  	s29 =	sadd.s32 $0x300, s23;
	(ifvalue) =	ssetifvalue $0x7FFFFFFF  }
0x2c: {  	[tilespmem:s29], [sflag:$0x1] =	stream.indirect_vreg.gather [hbm4b:s2+s10], $0x1, v2, vm0, $0x4038;
	[tilespmem:$0x900] =	vst v63  }
0x2d: {  	(ifvalue) =	ssetifvalue $0x7FFFFFFF  }
0x2e: {  	s30 =	sshll.u32 s13, $0x3;
	s15 =	sadd.s32 $0x380, s23;
	(ifvalue) =	ssetifvalue $0x7FFFFFFF  }
0x2f: {  	[tilespmem:s15], [sflag:$0x1] =	stream.indirect_vreg.gather [hbm4b:s2+s10], $0x1, v1, vm0, $0x4038;
	[tilespmem:$0x900] =	vst v63  }
0x30: {  	s31 =	sand.u32 $0x78, s13;
	s15 =	sand.u32 $0xFFFFFC00, s30  }
0x31: {  	_ =	swait.ge [sflag:s6], $0x400;
	s13 =	sor.u32 s31, s15  }
0x32: {  	[sflag:s6] =	ssyncset.done $0x0;
	s13 =	sshrl.u32 s13, $0x3  }
0x33: {  	[sflag:s6] =	ssyncadd.s32 $0xFFFFFC00;
	s13 =	sadd.s32 s5, s13  }
0x34: {  	[hbm:s13] =	stream.linear.scatter [tilespmem:s14], [sflag:$0x3], $0x400, $0x38;
	[tilespmem:$0x900] =	vst v63  }
.LBB2_5:
0x35: {  	s15 =	sadd.s32 $0x1000, s11  }
0x36: {  	p2 =	sgt.s32 s15, $0x61A7F  }
0x37: {  	s15 =	smov.u32 @p2 s3;
	p2 =	sne.s32 s12, s9  }
.Ltmp1:
0x38: {  	p1 =	slt.u32 s12, $0x2;
	(pc) =	sbr.rel @!p2 .LBB2_6-.Ltmp1, $4  }
0x39: {  	s14 =	simm.s32 @!p1 $0x3  }
0x3a: {  	s16 =	sadd.s32 $0x1, s12;
	_ =	swait.ge @!p1 [sflag:s14], $0x400  }
0x3b: {  	s13 =	smov.u32 s11;
	p0 =	por !p0, !p0;
	[sflag:s14] =	ssyncset.done @!p1 $0x0  }
0x3c: {  	s12 =	smov.u32 s16;
	s11 =	smov.u32 s15;
	[sflag:s14] =	ssyncadd.s32 @!p1 $0xFFFFFC00  }
.LBB2_1:
0x3d: {  	p1 =	sge.u32 s12, s8  }
0x3e: {  	s14 =	sxor.u32 @!p1 $0xFFFFFFFF, s12  }
0x3f: {  	s31 =	sadd.s32 $0xFFFFFFFF, s12;
	s15 =	sshrl.u32 @!p1 s11, $0x3;
	s14 =	sshll.u32 @!p1 s14, $0x7  }
0x40: {  	s16 =	sand.u32 @!p1 $0x7, s11;
	s15 =	sadd.s32 @!p1 s4, s15;
	s14 =	sand.u32 @!p1 $0x80, s14  }
0x41: {  	[tilespmem:s14], [sflag:$0x2] =	stream.linear.gather @!p1 [hbm4b:s15+s16], $0x80, $0x38;
	[tilespmem:$0x900] =	vst v63  }
0x42: {  	p1 =	sge.u32 s31, s8  }
.Ltmp2:
0x43: {  	_ = 	snop;
	(pc) =	sbr.rel @p1 .LBB2_5-.Ltmp2, $1  }
0x44: {  	_ =	sdelay $0x3  }
0x45: {  	s14 =	simm.s32 $0x1  }
0x46: {  	_ =	swait.ge [sflag:s7], $0x80;
	s14 =	simm.s32 @!p0 $0x0  }
0x47: {  	[sflag:s7] =	ssyncset.done $0x0;
	s15 =	sshll.u32 s14, $0x7  }
0x48: {  	[sflag:s7] =	ssyncadd.s32 $0xFFFFFF80;
	s16 =	sadd.s32 $0x0, s15  }
0x49: {  	v1 =	vld.msk [tilespmem:s16+$0x0 ss:$0x1], $0xffff;
	_ =	sdelay $0x2  }
0x4a: {  	s18 =	ssub.s32 $0x61A80, s13  }
0x4b: {  	p1 =	slt.s32 s18, $0x80  }
0x4c: {  	s18 =	simm.s32 @!p1 $0x80;
	vm1 =	vgt.s32 v1, $0x0  }
0x4d: {  	p1 =	sgt.s32 s18, $0x0;
	s16 =	smov.u32 s18;
	v1 =	vnsel vm1, $0x0, v1  }
0x4e: {  	s16 =	simm.s32 @!p1 $0x0;
	v1 =	vmin.u32 v1, $0x61A7F  }
0x4f: {  	s16 =	smin.u32 s16, $0x10;
	v2 =	vshll.u32 v1, $0x3  }
0x50: {  	v3 =	vmov s16;
	v1 =	vand.u32 $0x7F, v1;
	v2 =	vand.u32 $0x3FFC00, v2  }
0x51: {  	vm1 =	vgt.u32 v3, v0;
	v1 =	vor.u32 v1, v2  }
0x52: {  	v2 =	vnsel vm1, $0x7FFFFFFF, v1;
	_ =	sdelay $0x1  }
0x53: {  	s14 =	sshll.u32 s14, $0xA;
	v3 =	vor.u32 $0x80, v1  }
0x54: {  	(ifvalue) =	ssetifvalue $0x7FFFFFFF;
	s16 =	sor.u32 $0x100, s14;
	v3 =	vnsel vm1, $0x7FFFFFFF, v3  }
0x55: {  	(ifvalue) =	ssetifvalue $0x7FFFFFFF;
	s19 =	sadd.s32 $0x0, s16  }
0x56: {  	v4 =	vor.u32 $0x100, v1;
	[tilespmem:s19], [sflag:$0x1] =	stream.indirect_vreg.gather [hbm4b:s2+s10], $0x1, v2, vm0, $0x4038;
	[tilespmem:$0x900] =	vst v63  }
0x57: {  	(ifvalue) =	ssetifvalue $0x7FFFFFFF;
	v2 =	vnsel vm1, $0x7FFFFFFF, v4  }
0x58: {  	s25 =	sadd.s32 $0x80, s19;
	(ifvalue) =	ssetifvalue $0x7FFFFFFF  }
0x59: {  	v60 =	vor.u32 $0x180, v1;
	[tilespmem:s25], [sflag:$0x1] =	stream.indirect_vreg.gather [hbm4b:s2+s10], $0x1, v3, vm0, $0x4038;
	[tilespmem:$0x900] =	vst v63  }
0x5a: {  	v3 =	vnsel vm1, $0x7FFFFFFF, v60;
	(ifvalue) =	ssetifvalue $0x7FFFFFFF  }
0x5b: {  	s26 =	sadd.s32 $0x100, s19;
	(ifvalue) =	ssetifvalue $0x7FFFFFFF  }
0x5c: {  	v61 =	vor.u32 $0x200, v1;
	[tilespmem:s26], [sflag:$0x1] =	stream.indirect_vreg.gather [hbm4b:s2+s10], $0x1, v2, vm0, $0x4038;
	[tilespmem:$0x900] =	vst v63  }
0x5d: {  	(ifvalue) =	ssetifvalue $0x7FFFFFFF;
	v2 =	vnsel vm1, $0x7FFFFFFF, v61  }
0x5e: {  	s28 =	sadd.s32 $0x180, s19;
	(ifvalue) =	ssetifvalue $0x7FFFFFFF  }
0x5f: {  	v62 =	vor.u32 $0x280, v1;
	[tilespmem:s28], [sflag:$0x1] =	stream.indirect_vreg.gather [hbm4b:s2+s10], $0x1, v3, vm0, $0x4038;
	[tilespmem:$0x900] =	vst v63  }
0x60: {  	v3 =	vnsel vm1, $0x7FFFFFFF, v62;
	(ifvalue) =	ssetifvalue $0x7FFFFFFF  }
0x61: {  	s29 =	sadd.s32 $0x200, s19;
	(ifvalue) =	ssetifvalue $0x7FFFFFFF  }
0x62: {  	v63 =	vor.u32 $0x300, v1;
	[tilespmem:s29], [sflag:$0x1] =	stream.indirect_vreg.gather [hbm4b:s2+s10], $0x1, v2, vm0, $0x4038;
	[tilespmem:$0x900] =	vst v63  }
0x63: {  	(ifvalue) =	ssetifvalue $0x7FFFFFFF;
	v2 =	vnsel vm1, $0x7FFFFFFF, v63  }
0x64: {  	s17 =	sadd.s32 $0x280, s19;
	(ifvalue) =	ssetifvalue $0x7FFFFFFF  }
0x65: {  	v1 =	vor.u32 $0x380, v1;
	[tilespmem:s17], [sflag:$0x1] =	stream.indirect_vreg.gather [hbm4b:s2+s10], $0x1, v3, vm0, $0x4038;
	[tilespmem:$0x900] =	vst v63  }
0x66: {  	s30 =	sand.u32 $0x1, s12;
	s20 =	simm.s32 $0x80;
	v1 =	vnsel vm1, $0x7FFFFFFF, v1;
	(ifvalue) =	ssetifvalue $0x7FFFFFFF  }
0x67: {  	s14 =	sshll.u32 s30, $0xA;
	s31 =	sadd.s32 $0x300, s19;
	(ifvalue) =	ssetifvalue $0x7FFFFFFF  }
0x68: {  	[tilespmem:s31], [sflag:$0x1] =	stream.indirect_vreg.gather [hbm4b:s2+s10], $0x1, v2, vm0, $0x4038;
	[tilespmem:$0x900] =	vst v63  }
0x69: {  	s18 =	sadd.s32 $0xFFFFFFF0, s18;
	s14 =	sor.u32 $0x100, s14;
	(ifvalue) =	ssetifvalue $0x7FFFFFFF  }
0x6a: {  	s21 =	sadd.s32 $0x380, s19;
	s17 =	simm.s32 $0x10;
	(ifvalue) =	ssetifvalue $0x7FFFFFFF  }
.LBB2_3:
0x6b: {  	[tilespmem:s21], [sflag:$0x1] =	stream.indirect_vreg.gather [hbm4b:s2+s10], $0x1, v1, vm0, $0x4038;
	[tilespmem:$0x900] =	vst v63  }
0x6c: {  	s19 =	smov.u32 s20  }
0x6d: {  	s22 =	sadd.s32 s17, s15;
	s21 =	sshra.s32 s19, $0x2;
	s19 =	sadd.s32 $0x40, s20  }
0x6e: {  	p1 =	sne.s32 s20, $0x1C0;
	v1 =	vld.msk [tilespmem:s22+$0x0 ss:$0x1], $0xffff  }
0x6f: {  	(ifvalue) =	ssetifvalue $0x7FFFFFFF;
	_ =	sdelay $0x4  }
0x70: {  	vm1 =	vgt.s32 v1, $0x0  }
0x71: {  	p2 =	sgt.s32 s18, $0x0;
	s20 =	smov.u32 s18;
	v1 =	vnsel vm1, $0x0, v1  }
0x72: {  	s20 =	simm.s32 @!p2 $0x0;
	v1 =	vmin.u32 v1, $0x61A7F  }
0x73: {  	s20 =	smin.u32 s20, $0x10;
	v2 =	vshll.u32 v1, $0x3  }
0x74: {  	v3 =	vmov s20;
	v1 =	vand.u32 $0x7F, v1;
	v2 =	vand.u32 $0x3FFC00, v2  }
0x75: {  	vm1 =	vgt.u32 v3, v0;
	v1 =	vor.u32 v1, v2  }
0x76: {  	v2 =	vnsel vm1, $0x7FFFFFFF, v1;
	v3 =	vor.u32 $0x80, v1;
	v4 =	vor.u32 $0x100, v1  }
0x77: {  	v5 =	vor.u32 $0x180, v1;
	v6 =	vor.u32 $0x200, v1;
	v7 =	vor.u32 $0x280, v1  }
0x78: {  	v8 =	vor.u32 $0x300, v1;
	v1 =	vor.u32 $0x380, v1  }
0x79: {  	v3 =	vnsel vm1, $0x7FFFFFFF, v3  }
0x7a: {  	s20 =	sadd.s32 s17, s16;
	s17 =	smov.u32 s21;
	(ifvalue) =	ssetifvalue $0x7FFFFFFF  }
0x7b: {  	[tilespmem:s20], [sflag:$0x1] =	stream.indirect_vreg.gather [hbm4b:s2+s10], $0x1, v2, vm0, $0x4038;
	[tilespmem:$0x900] =	vst v63  }
0x7c: {  	v2 =	vnsel vm1, $0x7FFFFFFF, v4;
	(ifvalue) =	ssetifvalue $0x7FFFFFFF  }
0x7d: {  	s21 =	sadd.s32 $0x80, s20;
	(ifvalue) =	ssetifvalue $0x7FFFFFFF  }
0x7e: {  	[tilespmem:s21], [sflag:$0x1] =	stream.indirect_vreg.gather [hbm4b:s2+s10], $0x1, v3, vm0, $0x4038;
	[tilespmem:$0x900] =	vst v63  }
0x7f: {  	v3 =	vnsel vm1, $0x7FFFFFFF, v5;
	(ifvalue) =	ssetifvalue $0x7FFFFFFF  }
0x80: {  	s21 =	sadd.s32 $0x100, s20;
	(ifvalue) =	ssetifvalue $0x7FFFFFFF  }
0x81: {  	[tilespmem:s21], [sflag:$0x1] =	stream.indirect_vreg.gather [hbm4b:s2+s10], $0x1, v2, vm0, $0x4038;
	[tilespmem:$0x900] =	vst v63  }
0x82: {  	v2 =	vnsel vm1, $0x7FFFFFFF, v6;
	(ifvalue) =	ssetifvalue $0x7FFFFFFF  }
0x83: {  	s21 =	sadd.s32 $0x180, s20;
	(ifvalue) =	ssetifvalue $0x7FFFFFFF  }
0x84: {  	[tilespmem:s21], [sflag:$0x1] =	stream.indirect_vreg.gather [hbm4b:s2+s10], $0x1, v3, vm0, $0x4038;
	[tilespmem:$0x900] =	vst v63  }
0x85: {  	v3 =	vnsel vm1, $0x7FFFFFFF, v7;
	(ifvalue) =	ssetifvalue $0x7FFFFFFF  }
0x86: {  	s21 =	sadd.s32 $0x200, s20;
	(ifvalue) =	ssetifvalue $0x7FFFFFFF  }
0x87: {  	[tilespmem:s21], [sflag:$0x1] =	stream.indirect_vreg.gather [hbm4b:s2+s10], $0x1, v2, vm0, $0x4038;
	[tilespmem:$0x900] =	vst v63  }
0x88: {  	v2 =	vnsel vm1, $0x7FFFFFFF, v8;
	(ifvalue) =	ssetifvalue $0x7FFFFFFF  }
0x89: {  	s21 =	sadd.s32 $0x280, s20;
	(ifvalue) =	ssetifvalue $0x7FFFFFFF  }
0x8a: {  	[tilespmem:s21], [sflag:$0x1] =	stream.indirect_vreg.gather [hbm4b:s2+s10], $0x1, v3, vm0, $0x4038;
	[tilespmem:$0x900] =	vst v63  }
.Ltmp3:
0x8b: {  	v1 =	vnsel vm1, $0x7FFFFFFF, v1;
	(ifvalue) =	ssetifvalue $0x7FFFFFFF;
	(pc) =	sbr.rel @p1 .LBB2_3-.Ltmp3, $4  }
0x8c: {  	s21 =	sadd.s32 $0x300, s20;
	(ifvalue) =	ssetifvalue $0x7FFFFFFF  }
0x8d: {  	[tilespmem:s21], [sflag:$0x1] =	stream.indirect_vreg.gather [hbm4b:s2+s10], $0x1, v2, vm0, $0x4038;
	[tilespmem:$0x900] =	vst v63  }
0x8e: {  	s18 =	sadd.s32 $0xFFFFFFF0, s18;
	(ifvalue) =	ssetifvalue $0x7FFFFFFF  }
0x8f: {  	s21 =	sadd.s32 $0x380, s20;
	s20 =	smov.u32 s19;
	(ifvalue) =	ssetifvalue $0x7FFFFFFF  }
.Ltmp4:
0x90: {  	_ = 	snop;
	(pc) =	sbr.rel .LBB2_4-.Ltmp4, $1  }
0x91: {  	_ =	sdelay $0x3  }
.LBB2_6:
0x92: {  	_ =	sfence.sel $0x180000  }
0x93: {  	s2 =	simm.s32 $0x2;
	[bflag:$0x0] =	sbarrier.arrive $0xFFFF  }
0x94: {  	s30 =	simm.s32 $0x3;
	[sflag:s2] =	ssyncpa.u1 $0x1  }
0x95: {  	s31 =	simm.s32 $0x1;
	[sflag:s30] =	ssyncpa.u1 $0x1  }
0x96: {  	[sflag:s31] =	ssyncpa.u1 $0x1  }
0x97: {  	p0 =	sne.s32 s0, $0x0;
	_ =	strace $0x9000004A  }
0x98: {  	s0 =	sadd.s32 @!p0 $0x100000, s1;
	[bflag:$0x2] =	sbarrier.arrive $0xFFFF  }
0x99: {  	[sflag:s0] =	ssyncadd.tile.s32 @!p0 $0x1;
	_ =	shalt  }
.Lfunc_end2:
_tile_overlayer_lowered:
.L_overlay_start_2:
0x9a: {  	(tag) =	ssettag $0x2  }
0x9b: {  	s0 =	rddreg [dreg:$0x0];
	s2 =	stileid.u32  }
0x9c: {  	s1 =	rddreg [dreg:$0x1];
	p0 =	sne.s32 s2, $0x0  }
0x9d: {  	s3 =	rddreg [dreg:$0x2];
	[bflag:$0x3] =	sbarrier.arrive $0xFFFF;
	s2 =	simm.s32 @!p0 $0x1C01  }
0x9e: {  	[timem:s3], [sflag:s2] =	dma.local @!p0 [hbm:s0], s1  }
0x9f: {  	s0 =	simm.s32 @!p0 $0x1  }
0xa0: {  	_ =	swait.ge @!p0 [sflag:s0], s1  }
0xa1: {  	s1 =	ssub.s32 @!p0 $0x0, s1;
	[sflag:s0] =	ssyncset.done @!p0 $0x0  }
0xa2: {  	[sflag:s0] =	ssyncadd.s32 @!p0 s1  }
0xa3: {  	[bflag:$0x3] =	sbarrier.arrive $0xFFFF  }
0xa4: {  	_ =	shalt  }

// kernel: gather_offload_async_start
scs
__scs_entry_jumppad:
0x0: {  	(pc) =	sbr.rel $0x88, $3  }
0x1: {  	(tag) =	ssettag $0x0;
	lr =	simm.s32 $0x1  }
0x2: {  	[smem:$0x3F9A] =	sst lr;
	_ =	strace $0xD0000000  }
0x3: {  	_ = 	snop  }
0x4: {  	_ = 	snop  }
0x5: {  	_ = 	snop  }
0x6: {  	_ = 	snop  }
0x7: {  	_ = 	snop  }
__scs_overlays_trampoline_lowered:
0x8: {  	[smem:$0x3FA9] =	sst s0  }
0x9: {  	[smem:$0x3FAA] =	sst s1  }
0xa: {  	[smem:$0x3FAB] =	sst s2  }
0xb: {  	[smem:$0x3FAC] =	sst s3  }
0xc: {  	[smem:$0x3FAD] =	sst s4  }
0xd: {  	[smem:$0x3FAE] =	sst s5  }
0xe: {  	[smem:$0x3FAF] =	sst s6  }
0xf: {  	[smem:$0x3FB0] =	sst s7  }
0x10: {  	[smem:$0x3FB1] =	sst s8  }
0x11: {  	[smem:$0x3FB2] =	sst s9;
	s0 =	simm.s32 @!p0 $0x0  }
0x12: {  	s1 =	sld [smem:$0x3F98];
	s0 =	simm.s32 @p0 $0x1  }
0x13: {  	[smem:$0x3FB3] =	sst s0;
	s0 =	simm.s32 @!p1 $0x0  }
0x14: {  	s2 =	sld [smem:$0x3F97];
	s0 =	simm.s32 @p1 $0x1  }
0x15: {  	[smem:$0x3FB4] =	sst s0;
	s0 =	simm.s32 @!p2 $0x0  }
0x16: {  	s3 =	sld [smem:$0x3FDB];
	s0 =	simm.s32 @p2 $0x1  }
0x17: {  	s4 =	simm.s32 $0x1BF5;
	[smem:$0x3FB6] =	sst s0  }
0x18: {  	s0 =	sld [smem:$0x3F99];
	_ =	swait.ge [sflag:s4], $0x0  }
0x19: {  	s7 =	sld [smem:$0x3F9A]  }
0x1a: {  	s8 =	sadd.s32 $0xFFFFE003, lr  }
0x1b: {  	s9 =	sadd.s32 $0xFFFFFEF7, lr;
	s5 =	simm.s32 $0xFFFFFFFF;
	p2 =	slt.u32 s8, $0xFFFFF086  }
0x1c: {  	p1 =	slt.u32 s9, $0xF7A;
	s5 =	simm.s32 @!p2 $0x0  }
0x1d: {  	s5 =	simm.s32 @p1 $0x1;
	p0 =	seq.s32 s7, s2  }
0x1e: {  	s7 =	smul.u32 @!p0 $0xF7A, s2;
	p2 =	seq.s32 @!p0 s5, $0x0  }
0x1f: {  	s9 =	smul.u32 $0xF7A, s1;
	s8 =	simm.s32 @!p0 $0x1BF5;
	p2 =	por !p2, p0  }
0x20: {  	[sflag:s8] =	ssyncset.s32 @!p0 $0xFFFFF086;
	s6 =	sadd.s32 @!p0 s3, s7;
	s7 =	simm.s32 @!p0 $0x108  }
0x21: {  	s3 =	sadd.s32 s3, s9;
	s6 =	sadd.s32 @!p0 $0x88, s6;
	s7 =	simm.s32 @p2 $0x1082  }
0x22: {  	[simem:s7], [sflag:s8] =	dma.local @!p0 [hbm:s6], $0xF7A  }
0x23: {  	s9 =	sor.u32 $0xD0000000, s2;
	s6 =	simm.s32 $0x108;
	_ =	swait.ge @!p0 [sflag:s8], $0x0  }
0x24: {  	s3 =	sadd.s32 $0x88, s3;
	s6 =	simm.s32 @!p1 $0x1082;
	[sflag:s4] =	ssyncset.s32 $0xFFFFF086  }
0x25: {  	[simem:s6], [sflag:s4] =	dma.local [hbm:s3], $0xF7A  }
0x26: {  	[smem:$0x3F9A] =	sst s1;
	(tag) =	ssettag s2;
	_ =	strace s9  }
0x27: {  	s1 =	sld [smem:$0x3FAA]  }
0x28: {  	s2 =	sld [smem:$0x3FAB]  }
0x29: {  	s4 =	sld [smem:$0x3FAD]  }
0x2a: {  	p0 =	seq.s32 s5, $0x0;
	s5 =	sld [smem:$0x3FAE]  }
0x2b: {  	s6 =	sld [smem:$0x3FAF]  }
0x2c: {  	s7 =	sld [smem:$0x3FB0]  }
0x2d: {  	s3 =	simm.s32 $0x108;
	s8 =	sld [smem:$0x3FB1]  }
0x2e: {  	s3 =	simm.s32 @!p0 $0x1082;
	s9 =	sld [smem:$0x3FB2]  }
0x2f: {  	lr =	sadd.s32 s0, s3;
	s0 =	sld [smem:$0x3FA9]  }
0x30: {  	s3 =	sld [smem:$0x3FAC]  }
0x31: {  	[smem:$0x3FB5] =	sst s10  }
0x32: {  	s10 =	sld [smem:$0x3FB3];
	_ =	sdelay $0x3  }
0x33: {  	p0 =	seq.s32 s10, $0x1;
	s10 =	sld [smem:$0x3FB5];
	_ =	sdelay $0x3  }
0x34: {  	[smem:$0x3FB5] =	sst s10  }
0x35: {  	s10 =	sld [smem:$0x3FB4];
	_ =	sdelay $0x3  }
0x36: {  	p1 =	seq.s32 s10, $0x1;
	s10 =	sld [smem:$0x3FB5];
	_ =	sdelay $0x3  }
0x37: {  	[smem:$0x3FB5] =	sst s10  }
0x38: {  	s10 =	sld [smem:$0x3FB6]  }
0x39: {  	_ = 	snop;
	(pc) =	sbr.ind lr, $3  }
0x3a: {  	_ = 	snop  }
0x3b: {  	_ = 	snop  }
0x3c: {  	p2 =	seq.s32 s10, $0x1;
	s10 =	sld [smem:$0x3FB5]  }
0x3d: {  	_ =	shalt  }
0x3e: {  	_ =	shalt  }
0x3f: {  	_ =	shalt  }
0x40: {  	_ =	shalt  }
0x41: {  	_ =	shalt  }
0x42: {  	_ =	shalt  }
0x43: {  	_ =	shalt  }
0x44: {  	_ =	shalt  }
0x45: {  	_ =	shalt  }
0x46: {  	_ =	shalt  }
0x47: {  	_ =	shalt  }
0x48: {  	_ =	shalt  }
0x49: {  	_ =	shalt  }
0x4a: {  	_ =	shalt  }
0x4b: {  	_ =	shalt  }
0x4c: {  	_ =	shalt  }
0x4d: {  	_ =	shalt  }
0x4e: {  	_ =	shalt  }
0x4f: {  	_ =	shalt  }
0x50: {  	_ =	shalt  }
0x51: {  	_ =	shalt  }
0x52: {  	_ =	shalt  }
0x53: {  	_ =	shalt  }
0x54: {  	_ =	shalt  }
0x55: {  	_ =	shalt  }
0x56: {  	_ =	shalt  }
0x57: {  	_ =	shalt  }
0x58: {  	_ =	shalt  }
0x59: {  	_ =	shalt  }
0x5a: {  	_ =	shalt  }
0x5b: {  	_ =	shalt  }
0x5c: {  	_ =	shalt  }
0x5d: {  	_ =	shalt  }
0x5e: {  	_ =	shalt  }
0x5f: {  	_ =	shalt  }
0x60: {  	_ =	shalt  }
0x61: {  	_ =	shalt  }
0x62: {  	_ =	shalt  }
0x63: {  	_ =	shalt  }
0x64: {  	_ =	shalt  }
0x65: {  	_ =	shalt  }
0x66: {  	_ =	shalt  }
0x67: {  	_ =	shalt  }
0x68: {  	_ =	shalt  }
0x69: {  	_ =	shalt  }
0x6a: {  	_ =	shalt  }
0x6b: {  	_ =	shalt  }
0x6c: {  	_ =	shalt  }
0x6d: {  	_ =	shalt  }
0x6e: {  	_ =	shalt  }
0x6f: {  	_ =	shalt  }
0x70: {  	_ =	shalt  }
0x71: {  	_ =	shalt  }
0x72: {  	_ =	shalt  }
0x73: {  	_ =	shalt  }
0x74: {  	_ =	shalt  }
0x75: {  	_ =	shalt  }
0x76: {  	_ =	shalt  }
0x77: {  	_ =	shalt  }
0x78: {  	_ =	shalt  }
0x79: {  	_ =	shalt  }
0x7a: {  	_ =	shalt  }
0x7b: {  	_ =	shalt  }
0x7c: {  	_ =	shalt  }
0x7d: {  	_ =	shalt  }
0x7e: {  	_ =	shalt  }
0x7f: {  	_ =	shalt  }
0x80: {  	_ =	shalt  }
0x81: {  	_ =	shalt  }
0x82: {  	_ =	shalt  }
0x83: {  	_ =	shalt  }
0x84: {  	_ =	shalt  }
0x85: {  	_ =	shalt  }
0x86: {  	_ =	shalt  }
0x87: {  	_ =	shalt  }
.Lfunc_end0:
.L_simem_size_0:
called_computation.1_lowered:
.L_overlay_start_0:
0x88: {  	s2 =	sld [smem:$0x3FD9]  }
0x89: {  	s3 =	sld [smem:$0x3FFE];
	_ =	sdelay $0x1  }
0x8a: {  	s1 =	srdreg.scid  }
0x8b: {  	s0 =	sand.u32 $0x1, s1  }
0x8c: {  	s16 =	sshll.u32 s0, $0xA;
	s2 =	sadd.s32 s3, s2  }
0x8d: {  	s2 =	sadd.s32 s2, s16  }
0x8e: {  	[smem:$0x3FC1] =	sst s2  }
0x8f: {  	_ = 	snop  }
0x90: {  	(tm) =	ssettm $0x1  }
0x91: {  	s17 =	sld [smem:$0x3FFB];
	_ =	sdelay $0x3  }
0x92: {  	_ =	strace s17  }
0x93: {  	s2 =	sld [smem:$0x3FFC];
	_ =	sdelay $0x3  }
0x94: {  	_ =	strace s2  }
0x95: {  	s2 =	sld [smem:$0x3FFD];
	_ =	sdelay $0x3  }
0x96: {  	_ =	strace s2  }
0x97: {  	_ =	strace $0x8FFFFFFF  }
0x98: {  	s18 =	sld [smem:$0x3FDB];
	_ =	sdelay $0x1  }
0x99: {  	s19 =	simm.s32 $_scs_section_size  }
0x9a: {  	s4 =	simm.s32 $_size__tile_overlayer_lowered;
	s5 =	simm.s32 $_tile_overlayer_lowered  }
0x9b: {  	s22 =	simm.s32 $0x1BFF;
	s21 =	sshll.u32 s5, $0x1;
	s2 =	sadd.s32 s19, s18  }
0x9c: {  	s6 =	simm.s32 $0x0;
	s20 =	sshll.u32 s4, $0x1;
	s4 =	sadd.s32 s21, s2  }
0x9d: {  	[timem:s6], [sflag:s22] =	dma.local [hbm:s4], s20  }
0x9e: {  	_ =	swait.ge [sflag:s22], s20  }
0x9f: {  	s3 =	ssub.s32 $0x0, s20;
	[sflag:s22] =	ssyncset.done $0x0  }
0xa0: {  	[sflag:s22] =	ssyncadd.s32 s3;
	_ =	sdelay $0x1  }
0xa1: {  	s23 =	simm.s32 $0x1B8B  }
0xa2: {  	_ =	swait.ge [sflag:s23], $0x1  }
0xa3: {  	[sflag:s23] =	ssyncset.done $0x0  }
0xa4: {  	s25 =	simm.s32 $0x1B8E;
	s24 =	sld [smem:$0x3FFE];
	[sflag:s23] =	ssyncadd.s32 $0xFFFFFFFF  }
0xa5: {  	s26 =	simm.s32 $execute0_lowered;
	[smem:$0x3FD2] =	sst s25  }
0xa6: {  	s4 =	sshll.u32 s26, $0x1;
	_ =	strace $0x80000046;
	[dreg:$0x1] =	wrdreg $0xFFFFFFFF  }
0xa7: {  	s28 =	simm.s32 $_size_execute0_lowered;
	s2 =	sadd.s32 s2, s4;
	[dreg:$0x0] =	wrdreg $0x0  }
0xa8: {  	s4 =	sshll.u32 s28, $0x1;
	[dreg:$0x2] =	wrdreg s2  }
0xa9: {  	[dreg:$0x3] =	wrdreg s4  }
0xaa: {  	[dreg:$0x4] =	wrdreg $0xC0  }
0xab: {  	_ =	task [dreg:s6], $0x5FFFF  }
0xac: {  	[dreg:$0x1] =	wrdreg $0xFFFFFFFF  }
0xad: {  	[dreg:$0x0] =	wrdreg $0x60  }
0xae: {  	[dreg:$0x2] =	wrdreg s24  }
0xaf: {  	[dreg:$0x3] =	wrdreg $0x9  }
0xb0: {  	_ =	task.clear_ibuf [dreg:s6], $0x4FFFF;
	_ =	strace $0x90000046  }
0xb1: {  	s29 =	simm.s32 $0x9;
	_ =	strace $0x80000048  }
0xb2: {  	_ =	swait.ge [sflag:s29], $0x1  }
0xb3: {  	[sflag:s29] =	ssyncadd.s32 $0xFFFFFFFF  }
0xb4: {  	_ =	strace $0x90000048  }
0xb5: {  	_ =	sfence  }
0xb6: {  	s30 =	sld [smem:$0x0];
	_ =	sdelay $0x2  }
0xb7: {  	s31 =	sshll.u32 s1, $0xD;
	s1 =	sshrl.u32 s1, $0x2  }
0xb8: {  	s3 =	sand.u32 $0x4000, s31;
	s1 =	sadd.s32 s1, s30  }
0xb9: {  	s0 =	sor.u32 s3, s0;
	s1 =	sshll.u32 s1, $0x11  }
0xba: {  	s0 =	sor.u32 s1, s0  }
0xbb: {  	s0 =	sadd.s32 $0x8F2B, s0  }
0xbc: {  	[sflag:s0] =	ssyncadd.remote.s32 $0x1  }
0xbd: {  	_ =	sfence.sel $0xFFFF  }
0xbe: {  	[dreg:$0x0] =	wrdreg $0xFFFFFFFF;
	(pc) =	sbr.abs _section_cstart, $3  }
0xbf: {  	[dreg:$0x1] =	wrdreg $0xFFFFFFFF  }
0xc0: {  	_ =	task.clear_ibuf [dreg:s6], $0x2FFFF;
	_ =	strace $0x9FFFFFFF  }
0xc1: {  	(tm) =	ssettm $0x7FFFFFFF  }
tec
execute0_lowered:
.L_overlay_start_1:
0x0: {  	(tag) =	ssettag $0x1  }
0x1: {  	s0 =	stileid.u32  }
0x2: {  	s1 =	srdreg.scid;
	s2 =	rddreg [dreg:$0x0]  }
0x3: {  	s5 =	simm.s32 $0x1;
	s8 =	simm.s32 $0x1;
	s9 =	simm.s32 $0x3  }
0x4: {  	s10 =	simm.s32 $0x0;
	s3 =	sand.u32 $0x1, s1;
	s4 =	sshll.u32 s0, $0x1  }
0x5: {  	s13 =	simm.s32 $0x0;
	s12 =	simm.s32 $0x0;
	s6 =	sor.u32 s4, s3  }
0x6: {  	s1 =	rddreg [dreg:$0x1];
	_ =	strace $0x80000047;
	s4 =	smul.u32 $0x2710, s6  }
0x7: {  	s3 =	sadd.s32 $0xC400, s2;
	p0 =	slt.u32 s6, $0x9;
	s6 =	simm.s32 $0x4E200  }
.Ltmp0:
0x8: {  	s6 =	simm.s32 @!p0 $0x0;
	s7 =	ssub.s32 $0x61A80, s4;
	(pc) =	sbr.rel .LBB2_1-.Ltmp0, $4  }
0x9: {  	s8 =	simm.s32 @!p0 $0x0;
	p0 =	sne.s32 s7, s6;
	s7 =	simm.s32 $0x1  }
0xa: {  	[sflag:s5] =	ssyncpa.u1 $0x0;
	s6 =	simm.s32 $0x2;
	s7 =	simm.s32 @!p0 $0x0  }
0xb: {  	s11 =	smov.u32 s4;
	[sflag:s6] =	ssyncpa.u1 $0x0;
	s7 =	sadd.s32 s8, s7  }
0xc: {  	vm0 =	vmmov $0xffff;
	s8 =	sadd.s32 $0x49600, s2;
	[sflag:s9] =	ssyncpa.u1 $0x0;
	s9 =	sadd.s32 $0x1, s7  }
.LBB2_4:
0xd: {  	v2 =	vnsel vm1, $0x0, v2  }
0xe: {  	vm1 =	vgt.s32 v0, $0x0;
	v2 =	vmin.u32 v2, $0x61A7F  }
0xf: {  	v0 =	vnsel vm1, $0x0, v0  }
0x10: {  	v0 =	vmin.u32 v0, $0x61A7F  }
0x11: {  	[tilespmem:s18], [sflag:$0x1] =	stream.indirect_vreg.gather [hbm4b:s2+s10], $0x1, v1, vm0, $0x4038;
	[tilespmem:$0x9C40] =	vst v63  }
0x12: {  	(ifvalue) =	ssetifvalue $0x7FFFFFFF  }
0x13: {  	[tilespmem:s15], [sflag:$0x1] =	stream.indirect_vreg.gather [hbm4b:s2+s10], $0x1, v2, vm0, $0x4038;
	[tilespmem:$0x9C40] =	vst v63  }
0x14: {  	s29 =	sadd.s32 $0x10, s15;
	(ifvalue) =	ssetifvalue $0x7FFFFFFF  }
0x15: {  	[tilespmem:s29], [sflag:$0x1] =	stream.indirect_vreg.gather [hbm4b:s2+s10], $0x1, v0, vm0, $0x4038;
	[tilespmem:$0x9C40] =	vst v63  }
0x16: {  	_ =	swait.ge [sflag:s5], $0x2710  }
0x17: {  	s30 =	sshrl.u32 s13, $0x3;
	[sflag:s5] =	ssyncset.done $0x0  }
0x18: {  	s31 =	sand.u32 $0x7, s13;
	s15 =	sadd.s32 s8, s30;
	[sflag:s5] =	ssyncadd.s32 $0xFFFFD8F0  }
0x19: {  	[hbm4b:s15+s31] =	stream.linear.scatter [tilespmem:s14], [sflag:$0x3], $0x2710, $0x38;
	[tilespmem:$0x9C40] =	vst v63  }
.LBB2_5:
0x1a: {  	s15 =	sadd.s32 $0x4E200, s11  }
0x1b: {  	p1 =	sgt.s32 s15, $0x61A7F  }
0x1c: {  	s15 =	smov.u32 @p1 s4;
	p1 =	sne.s32 s12, s9  }
.Ltmp1:
0x1d: {  	p0 =	slt.u32 s12, $0x2;
	(pc) =	sbr.rel @!p1 .LBB2_6-.Ltmp1, $4  }
0x1e: {  	s14 =	simm.s32 @!p0 $0x3  }
0x1f: {  	_ =	swait.ge @!p0 [sflag:s14], $0x2710  }
0x20: {  	s16 =	sadd.s32 $0x1, s12;
	s13 =	smov.u32 s11;
	[sflag:s14] =	ssyncset.done @!p0 $0x0  }
0x21: {  	s12 =	smov.u32 s16;
	s11 =	smov.u32 s15;
	[sflag:s14] =	ssyncadd.s32 @!p0 $0xFFFFD8F0  }
.LBB2_1:
0x22: {  	p0 =	sge.u32 s12, s7  }
0x23: {  	s14 =	sxor.u32 @!p0 $0x1, s12  }
0x24: {  	s14 =	smul.u32 @!p0 $0x9C40, s14  }
0x25: {  	s31 =	sadd.s32 $0xFFFFFFFF, s12;
	s15 =	sshrl.u32 @!p0 s11, $0x3  }
0x26: {  	s16 =	sand.u32 @!p0 $0x7, s11;
	s15 =	sadd.s32 @!p0 s3, s15;
	s14 =	sshra.s32 @!p0 s14, $0x2  }
0x27: {  	[tilespmem:s14], [sflag:$0x2] =	stream.linear.gather @!p0 [hbm4b:s15+s16], $0x2710, $0x38;
	[tilespmem:$0x9C40] =	vst v63  }
0x28: {  	p0 =	sge.u32 s31, s7  }
.Ltmp2:
0x29: {  	_ = 	snop;
	(pc) =	sbr.rel @p0 .LBB2_5-.Ltmp2, $1  }
0x2a: {  	_ =	sdelay $0x3  }
0x2b: {  	s14 =	sand.u32 $0x1, s12  }
0x2c: {  	_ =	swait.ge [sflag:s6], $0x2710;
	p0 =	seq.s32 s14, $0x1;
	s14 =	simm.s32 $0x2710  }
0x2d: {  	[sflag:s6] =	ssyncset.done $0x0;
	s14 =	simm.s32 @!p0 $0x0  }
0x2e: {  	[sflag:s6] =	ssyncadd.s32 $0xFFFFD8F0;
	(ifvalue) =	ssetifvalue $0x7FFFFFFF;
	v0 =	vld.msk [tilespmem:s14+$0x0 ss:$0x1], $0xffff;
	_ =	sdelay $0x4  }
0x2f: {  	s15 =	sadd.s32 $0x10, s14;
	vm1 =	vgt.s32 v0, $0x0  }
0x30: {  	v2 =	vld.msk [tilespmem:s15+$0x0 ss:$0x1], $0xffff;
	v1 =	vnsel vm1, $0x0, v0  }
0x31: {  	v1 =	vmin.u32 v1, $0x61A7F;
	_ =	sdelay $0x2  }
0x32: {  	s17 =	simm.s32 $0x20;
	s14 =	sadd.s32 $0x4E20, s14;
	s16 =	sadd.s32 $0x10, s15  }
0x33: {  	s15 =	sadd.s32 $0x10, s14;
	s18 =	smov.u32 s14;
	v0 =	vld.msk [tilespmem:s16+$0x0 ss:$0x1], $0xffff;
	vm1 =	vgt.s32 v2, $0x0;
	(ifvalue) =	ssetifvalue $0x7FFFFFFF  }
.LBB2_3:
0x34: {  	[tilespmem:s18], [sflag:$0x1] =	stream.indirect_vreg.gather [hbm4b:s2+s10], $0x1, v1, vm0, $0x4038;
	[tilespmem:$0x9C40] =	vst v63  }
0x35: {  	s17 =	sadd.s32 $0x10, s17  }
0x36: {  	v2 =	vnsel vm1, $0x0, v2;
	p0 =	slt.u32 s17, $0x2700  }
.Ltmp3:
0x37: {  	s18 =	smov.u32 s15;
	v1 =	vmin.u32 v2, $0x61A7F;
	(pc) =	sbr.rel @p0 .LBB2_3-.Ltmp3, $3  }
0x38: {  	_ =	sdelay $0x1  }
0x39: {  	s16 =	sadd.s32 $0x10, s16  }
0x3a: {  	vm1 =	vgt.s32 v0, $0x0;
	s15 =	sadd.s32 $0x10, s15;
	v2 =	vmov v0;
	(ifvalue) =	ssetifvalue $0x7FFFFFFF;
	v0 =	vld.msk [tilespmem:s16+$0x0 ss:$0x1], $0xffff  }
.Ltmp4:
0x3b: {  	_ = 	snop;
	(pc) =	sbr.rel .LBB2_4-.Ltmp4, $1  }
0x3c: {  	_ =	sdelay $0x3  }
.LBB2_6:
0x3d: {  	_ =	sfence.sel $0x180000  }
0x3e: {  	s2 =	simm.s32 $0x2;
	[bflag:$0x0] =	sbarrier.arrive $0xFFFF  }
0x3f: {  	s30 =	simm.s32 $0x3;
	[sflag:s2] =	ssyncpa.u1 $0x1  }
0x40: {  	s31 =	simm.s32 $0x1;
	[sflag:s30] =	ssyncpa.u1 $0x1  }
0x41: {  	[sflag:s31] =	ssyncpa.u1 $0x1  }
0x42: {  	p0 =	sne.s32 s0, $0x0;
	_ =	strace $0x90000047  }
0x43: {  	s0 =	sadd.s32 @!p0 $0x100000, s1;
	[bflag:$0x2] =	sbarrier.arrive $0xFFFF  }
0x44: {  	[sflag:s0] =	ssyncadd.tile.s32 @!p0 $0x1;
	_ =	shalt  }
.Lfunc_end2:
_tile_overlayer_lowered:
.L_overlay_start_2:
0x45: {  	(tag) =	ssettag $0x2  }
0x46: {  	s0 =	rddreg [dreg:$0x0];
	s2 =	stileid.u32  }
0x47: {  	s1 =	rddreg [dreg:$0x1];
	p0 =	sne.s32 s2, $0x0  }
0x48: {  	s3 =	rddreg [dreg:$0x2];
	[bflag:$0x3] =	sbarrier.arrive $0xFFFF;
	s2 =	simm.s32 @!p0 $0x1C01  }
0x49: {  	[timem:s3], [sflag:s2] =	dma.local @!p0 [hbm:s0], s1  }
0x4a: {  	s0 =	simm.s32 @!p0 $0x1  }
0x4b: {  	_ =	swait.ge @!p0 [sflag:s0], s1  }
0x4c: {  	s1 =	ssub.s32 @!p0 $0x0, s1;
	[sflag:s0] =	ssyncset.done @!p0 $0x0  }
0x4d: {  	[sflag:s0] =	ssyncadd.s32 @!p0 s1  }
0x4e: {  	[bflag:$0x3] =	sbarrier.arrive $0xFFFF  }
0x4f: {  	_ =	shalt  }

// kernel: kernel.6.cloned.1.call-start
scs
__scs_entry_jumppad:
0x0: {  	(pc) =	sbr.rel $0x88, $3  }
0x1: {  	(tag) =	ssettag $0x0;
	lr =	simm.s32 $0x1  }
0x2: {  	[smem:$0x3F9A] =	sst lr;
	_ =	strace $0xD0000000  }
0x3: {  	_ = 	snop  }
0x4: {  	_ = 	snop  }
0x5: {  	_ = 	snop  }
0x6: {  	_ = 	snop  }
0x7: {  	_ = 	snop  }
__scs_overlays_trampoline_lowered:
0x8: {  	[smem:$0x3FA9] =	sst s0  }
0x9: {  	[smem:$0x3FAA] =	sst s1  }
0xa: {  	[smem:$0x3FAB] =	sst s2  }
0xb: {  	[smem:$0x3FAC] =	sst s3  }
0xc: {  	[smem:$0x3FAD] =	sst s4  }
0xd: {  	[smem:$0x3FAE] =	sst s5  }
0xe: {  	[smem:$0x3FAF] =	sst s6  }
0xf: {  	[smem:$0x3FB0] =	sst s7  }
0x10: {  	[smem:$0x3FB1] =	sst s8  }
0x11: {  	[smem:$0x3FB2] =	sst s9;
	s0 =	simm.s32 @!p0 $0x0  }
0x12: {  	s1 =	sld [smem:$0x3F98];
	s0 =	simm.s32 @p0 $0x1  }
0x13: {  	[smem:$0x3FB3] =	sst s0;
	s0 =	simm.s32 @!p1 $0x0  }
0x14: {  	s2 =	sld [smem:$0x3F97];
	s0 =	simm.s32 @p1 $0x1  }
0x15: {  	[smem:$0x3FB4] =	sst s0;
	s0 =	simm.s32 @!p2 $0x0  }
0x16: {  	s3 =	sld [smem:$0x3FDB];
	s0 =	simm.s32 @p2 $0x1  }
0x17: {  	s4 =	simm.s32 $0x1BF5;
	[smem:$0x3FB6] =	sst s0  }
0x18: {  	s0 =	sld [smem:$0x3F99];
	_ =	swait.ge [sflag:s4], $0x0  }
0x19: {  	s7 =	sld [smem:$0x3F9A]  }
0x1a: {  	s8 =	sadd.s32 $0xFFFFE003, lr  }
0x1b: {  	s9 =	sadd.s32 $0xFFFFFEF7, lr;
	s5 =	simm.s32 $0xFFFFFFFF;
	p2 =	slt.u32 s8, $0xFFFFF086  }
0x1c: {  	p1 =	slt.u32 s9, $0xF7A;
	s5 =	simm.s32 @!p2 $0x0  }
0x1d: {  	s5 =	simm.s32 @p1 $0x1;
	p0 =	seq.s32 s7, s2  }
0x1e: {  	s7 =	smul.u32 @!p0 $0xF7A, s2;
	p2 =	seq.s32 @!p0 s5, $0x0  }
0x1f: {  	s9 =	smul.u32 $0xF7A, s1;
	s8 =	simm.s32 @!p0 $0x1BF5;
	p2 =	por !p2, p0  }
0x20: {  	[sflag:s8] =	ssyncset.s32 @!p0 $0xFFFFF086;
	s6 =	sadd.s32 @!p0 s3, s7;
	s7 =	simm.s32 @!p0 $0x108  }
0x21: {  	s3 =	sadd.s32 s3, s9;
	s6 =	sadd.s32 @!p0 $0x88, s6;
	s7 =	simm.s32 @p2 $0x1082  }
0x22: {  	[simem:s7], [sflag:s8] =	dma.local @!p0 [hbm:s6], $0xF7A  }
0x23: {  	s9 =	sor.u32 $0xD0000000, s2;
	s6 =	simm.s32 $0x108;
	_ =	swait.ge @!p0 [sflag:s8], $0x0  }
0x24: {  	s3 =	sadd.s32 $0x88, s3;
	s6 =	simm.s32 @!p1 $0x1082;
	[sflag:s4] =	ssyncset.s32 $0xFFFFF086  }
0x25: {  	[simem:s6], [sflag:s4] =	dma.local [hbm:s3], $0xF7A  }
0x26: {  	[smem:$0x3F9A] =	sst s1;
	(tag) =	ssettag s2;
	_ =	strace s9  }
0x27: {  	s1 =	sld [smem:$0x3FAA]  }
0x28: {  	s2 =	sld [smem:$0x3FAB]  }
0x29: {  	s4 =	sld [smem:$0x3FAD]  }
0x2a: {  	p0 =	seq.s32 s5, $0x0;
	s5 =	sld [smem:$0x3FAE]  }
0x2b: {  	s6 =	sld [smem:$0x3FAF]  }
0x2c: {  	s7 =	sld [smem:$0x3FB0]  }
0x2d: {  	s3 =	simm.s32 $0x108;
	s8 =	sld [smem:$0x3FB1]  }
0x2e: {  	s3 =	simm.s32 @!p0 $0x1082;
	s9 =	sld [smem:$0x3FB2]  }
0x2f: {  	lr =	sadd.s32 s0, s3;
	s0 =	sld [smem:$0x3FA9]  }
0x30: {  	s3 =	sld [smem:$0x3FAC]  }
0x31: {  	[smem:$0x3FB5] =	sst s10  }
0x32: {  	s10 =	sld [smem:$0x3FB3];
	_ =	sdelay $0x3  }
0x33: {  	p0 =	seq.s32 s10, $0x1;
	s10 =	sld [smem:$0x3FB5];
	_ =	sdelay $0x3  }
0x34: {  	[smem:$0x3FB5] =	sst s10  }
0x35: {  	s10 =	sld [smem:$0x3FB4];
	_ =	sdelay $0x3  }
0x36: {  	p1 =	seq.s32 s10, $0x1;
	s10 =	sld [smem:$0x3FB5];
	_ =	sdelay $0x3  }
0x37: {  	[smem:$0x3FB5] =	sst s10  }
0x38: {  	s10 =	sld [smem:$0x3FB6]  }
0x39: {  	_ = 	snop;
	(pc) =	sbr.ind lr, $3  }
0x3a: {  	_ = 	snop  }
0x3b: {  	_ = 	snop  }
0x3c: {  	p2 =	seq.s32 s10, $0x1;
	s10 =	sld [smem:$0x3FB5]  }
0x3d: {  	_ =	shalt  }
0x3e: {  	_ =	shalt  }
0x3f: {  	_ =	shalt  }
0x40: {  	_ =	shalt  }
0x41: {  	_ =	shalt  }
0x42: {  	_ =	shalt  }
0x43: {  	_ =	shalt  }
0x44: {  	_ =	shalt  }
0x45: {  	_ =	shalt  }
0x46: {  	_ =	shalt  }
0x47: {  	_ =	shalt  }
0x48: {  	_ =	shalt  }
0x49: {  	_ =	shalt  }
0x4a: {  	_ =	shalt  }
0x4b: {  	_ =	shalt  }
0x4c: {  	_ =	shalt  }
0x4d: {  	_ =	shalt  }
0x4e: {  	_ =	shalt  }
0x4f: {  	_ =	shalt  }
0x50: {  	_ =	shalt  }
0x51: {  	_ =	shalt  }
0x52: {  	_ =	shalt  }
0x53: {  	_ =	shalt  }
0x54: {  	_ =	shalt  }
0x55: {  	_ =	shalt  }
0x56: {  	_ =	shalt  }
0x57: {  	_ =	shalt  }
0x58: {  	_ =	shalt  }
0x59: {  	_ =	shalt  }
0x5a: {  	_ =	shalt  }
0x5b: {  	_ =	shalt  }
0x5c: {  	_ =	shalt  }
0x5d: {  	_ =	shalt  }
0x5e: {  	_ =	shalt  }
0x5f: {  	_ =	shalt  }
0x60: {  	_ =	shalt  }
0x61: {  	_ =	shalt  }
0x62: {  	_ =	shalt  }
0x63: {  	_ =	shalt  }
0x64: {  	_ =	shalt  }
0x65: {  	_ =	shalt  }
0x66: {  	_ =	shalt  }
0x67: {  	_ =	shalt  }
0x68: {  	_ =	shalt  }
0x69: {  	_ =	shalt  }
0x6a: {  	_ =	shalt  }
0x6b: {  	_ =	shalt  }
0x6c: {  	_ =	shalt  }
0x6d: {  	_ =	shalt  }
0x6e: {  	_ =	shalt  }
0x6f: {  	_ =	shalt  }
0x70: {  	_ =	shalt  }
0x71: {  	_ =	shalt  }
0x72: {  	_ =	shalt  }
0x73: {  	_ =	shalt  }
0x74: {  	_ =	shalt  }
0x75: {  	_ =	shalt  }
0x76: {  	_ =	shalt  }
0x77: {  	_ =	shalt  }
0x78: {  	_ =	shalt  }
0x79: {  	_ =	shalt  }
0x7a: {  	_ =	shalt  }
0x7b: {  	_ =	shalt  }
0x7c: {  	_ =	shalt  }
0x7d: {  	_ =	shalt  }
0x7e: {  	_ =	shalt  }
0x7f: {  	_ =	shalt  }
0x80: {  	_ =	shalt  }
0x81: {  	_ =	shalt  }
0x82: {  	_ =	shalt  }
0x83: {  	_ =	shalt  }
0x84: {  	_ =	shalt  }
0x85: {  	_ =	shalt  }
0x86: {  	_ =	shalt  }
0x87: {  	_ =	shalt  }
.Lfunc_end0:
.L_simem_size_0:
called_computation.3_lowered:
.L_overlay_start_0:
0x88: {  	s0 =	sld [smem:$0x3FD9]  }
0x89: {  	s1 =	sld [smem:$0x3FFE];
	_ =	sdelay $0x3  }
0x8a: {  	s0 =	sadd.s32 s1, s0  }
0x8b: {  	[smem:$0x3FC1] =	sst s0  }
0x8c: {  	_ = 	snop  }
0x8d: {  	s0 =	sld [smem:$0x3FD0];
	(tm) =	ssettm $0x1  }
0x8e: {  	s16 =	sld [smem:$0x3FFB];
	_ =	sdelay $0x3  }
0x8f: {  	_ =	strace s16  }
0x90: {  	s1 =	sld [smem:$0x3FFC];
	_ =	sdelay $0x3  }
0x91: {  	_ =	strace s1  }
0x92: {  	s1 =	sld [smem:$0x3FFD];
	_ =	sdelay $0x3  }
0x93: {  	_ =	strace s1  }
0x94: {  	_ =	strace $0x8FFFFFFF  }
0x95: {  	s17 =	sld [smem:$0x3FDB];
	_ =	sdelay $0x1  }
0x96: {  	s2 =	simm.s32 $_scs_section_size  }
0x97: {  	s3 =	simm.s32 $_size__tile_overlayer_lowered;
	s4 =	simm.s32 $_tile_overlayer_lowered  }
0x98: {  	s20 =	simm.s32 $0x1BFF;
	s19 =	sshll.u32 s4, $0x1;
	s1 =	sadd.s32 s2, s17  }
0x99: {  	s5 =	simm.s32 $0x0;
	s18 =	sshll.u32 s3, $0x1;
	s3 =	sadd.s32 s19, s1  }
0x9a: {  	[timem:s5], [sflag:s20] =	dma.local [hbm:s3], s18  }
0x9b: {  	_ =	swait.ge [sflag:s20], s18  }
0x9c: {  	s2 =	ssub.s32 $0x0, s18;
	[sflag:s20] =	ssyncset.done $0x0  }
0x9d: {  	[sflag:s20] =	ssyncadd.s32 s2;
	_ =	sdelay $0x1  }
0x9e: {  	s21 =	simm.s32 $0x1B8B  }
0x9f: {  	_ =	swait.ge [sflag:s21], $0x1  }
0xa0: {  	[sflag:s21] =	ssyncset.done $0x0  }
0xa1: {  	s23 =	simm.s32 $0x1B8E;
	s22 =	sld [smem:$0x3FFE];
	[sflag:s21] =	ssyncadd.s32 $0xFFFFFFFF  }
0xa2: {  	s24 =	simm.s32 $execute0_lowered;
	[smem:$0x3FD2] =	sst s23  }
0xa3: {  	s3 =	sshll.u32 s24, $0x1;
	_ =	strace $0x8000004C;
	[dreg:$0x1] =	wrdreg $0xFFFFFFFF  }
0xa4: {  	s25 =	simm.s32 $_size_execute0_lowered;
	s1 =	sadd.s32 s1, s3;
	[dreg:$0x0] =	wrdreg $0x0  }
0xa5: {  	s3 =	sshll.u32 s25, $0x1;
	[dreg:$0x2] =	wrdreg s1  }
0xa6: {  	[dreg:$0x3] =	wrdreg s3  }
0xa7: {  	[dreg:$0x4] =	wrdreg $0xC0  }
0xa8: {  	_ =	task [dreg:s5], $0x5FFFF  }
0xa9: {  	[dreg:$0x1] =	wrdreg $0xFFFFFFFF  }
0xaa: {  	[dreg:$0x0] =	wrdreg $0x60  }
0xab: {  	[dreg:$0x2] =	wrdreg s22  }
0xac: {  	[dreg:$0x3] =	wrdreg s0  }
0xad: {  	[dreg:$0x4] =	wrdreg $0x9  }
0xae: {  	_ =	task.clear_ibuf [dreg:s5], $0x5FFFF;
	_ =	strace $0x9000004C  }
0xaf: {  	s26 =	simm.s32 $0x9;
	_ =	strace $0x8000004E  }
0xb0: {  	_ =	swait.ge [sflag:s26], $0x1  }
0xb1: {  	[sflag:s26] =	ssyncadd.s32 $0xFFFFFFFF  }
0xb2: {  	_ =	strace $0x9000004E  }
0xb3: {  	_ =	sfence  }
0xb4: {  	s28 =	sld [smem:$0x0];
	_ =	sdelay $0x1  }
0xb5: {  	s29 =	srdreg.scid  }
0xb6: {  	s30 =	sshll.u32 s29, $0xD;
	s31 =	sshrl.u32 s29, $0x2  }
0xb7: {  	s2 =	sand.u32 $0x4000, s30;
	s1 =	sand.u32 $0x1, s29;
	s0 =	sadd.s32 s31, s28  }
0xb8: {  	s1 =	sor.u32 s2, s1;
	s0 =	sshll.u32 s0, $0x11  }
0xb9: {  	s0 =	sor.u32 s0, s1  }
0xba: {  	s0 =	sadd.s32 $0x8F2B, s0  }
0xbb: {  	[sflag:s0] =	ssyncadd.remote.s32 $0x1  }
0xbc: {  	_ =	sfence.sel $0xFFFF  }
0xbd: {  	[dreg:$0x0] =	wrdreg $0xFFFFFFFF;
	(pc) =	sbr.abs _section_cstart, $3  }
0xbe: {  	[dreg:$0x1] =	wrdreg $0xFFFFFFFF  }
0xbf: {  	_ =	task.clear_ibuf [dreg:s5], $0x2FFFF;
	_ =	strace $0x9FFFFFFF  }
0xc0: {  	(tm) =	ssettm $0x7FFFFFFF  }
0xc1: {  	_ =	shalt  }
tec
execute0_lowered:
.L_overlay_start_1:
0x0: {  	(tag) =	ssettag $0x1  }
0x1: {  	s6 =	rddreg [dreg:$0x0]  }
0x2: {  	s5 =	rddreg [dreg:$0x1]  }
0x3: {  	s0 =	rddreg [dreg:$0x2];
	s3 =	simm.s32 $0x0  }
0x4: {  	[smem:$0x7FF] =	sst s3  }
0x5: {  	s1 =	stileid.u32;
	s2 =	simm.s32 $0x2;
	_ =	strace $0x8000004D  }
0x6: {  	[tilespmem:s3], [sflag:$0x2] =	stream.linear.gather [hbm4b:s6+s3], $0x15000, $0x38;
	[tilespmem:$0x19080] =	vst v63  }
0x7: {  	s7 =	smul.u32 $0x34800, s1;
	_ =	swait.ge [sflag:s2], $0x15000  }
0x8: {  	s4 =	sadd.s32 $0x2A00, s6;
	[sflag:s2] =	ssyncset.done $0x0  }
0x9: {  	s8 =	smul.u32 $0x1A4000, s1;
	s7 =	sadd.s32 s4, s7;
	[sflag:s2] =	ssyncadd.s32 $0xFFFEB000  }
0xa: {  	[hbm4b:s7+s3] =	stream.linear.scatter [tilespmem:s3], [sflag:$0x2], $0x15000, $0x38;
	[tilespmem:$0x19080] =	vst v63  }
0xb: {  	s10 =	sshrl.u32 s8, $0x3;
	_ =	swait.ge [sflag:s2], $0x15000  }
0xc: {  	s7 =	sadd.s32 s4, s10;
	[sflag:s2] =	ssyncset.done $0x0  }
0xd: {  	s11 =	sadd.s32 $0x2A00, s7;
	[sflag:s2] =	ssyncadd.s32 $0xFFFEB000  }
0xe: {  	[hbm4b:s11+s3] =	stream.linear.scatter [tilespmem:s3], [sflag:$0x2], $0x15000, $0x38;
	[tilespmem:$0x19080] =	vst v63  }
0xf: {  	_ =	swait.ge [sflag:s2], $0x15000  }
0x10: {  	[sflag:s2] =	ssyncset.done $0x0  }
0x11: {  	s12 =	sadd.s32 $0x5400, s7;
	[sflag:s2] =	ssyncadd.s32 $0xFFFEB000  }
0x12: {  	[hbm4b:s12+s3] =	stream.linear.scatter [tilespmem:s3], [sflag:$0x2], $0x15000, $0x38;
	[tilespmem:$0x19080] =	vst v63  }
0x13: {  	_ =	swait.ge [sflag:s2], $0x15000  }
0x14: {  	[sflag:s2] =	ssyncset.done $0x0  }
0x15: {  	s13 =	sadd.s32 $0x7E00, s7;
	[sflag:s2] =	ssyncadd.s32 $0xFFFEB000  }
0x16: {  	[hbm4b:s13+s3] =	stream.linear.scatter [tilespmem:s3], [sflag:$0x2], $0x15000, $0x38;
	[tilespmem:$0x19080] =	vst v63  }
0x17: {  	_ =	swait.ge [sflag:s2], $0x15000  }
0x18: {  	[sflag:s2] =	ssyncset.done $0x0  }
0x19: {  	s14 =	sadd.s32 $0xA800, s7;
	[sflag:s2] =	ssyncadd.s32 $0xFFFEB000  }
0x1a: {  	[hbm4b:s14+s3] =	stream.linear.scatter [tilespmem:s3], [sflag:$0x2], $0x15000, $0x38;
	[tilespmem:$0x19080] =	vst v63  }
0x1b: {  	_ =	swait.ge [sflag:s2], $0x15000  }
0x1c: {  	[sflag:s2] =	ssyncset.done $0x0  }
0x1d: {  	s15 =	sadd.s32 $0xD200, s7;
	[sflag:s2] =	ssyncadd.s32 $0xFFFEB000  }
0x1e: {  	[hbm4b:s15+s3] =	stream.linear.scatter [tilespmem:s3], [sflag:$0x2], $0x15000, $0x38;
	[tilespmem:$0x19080] =	vst v63  }
0x1f: {  	_ =	swait.ge [sflag:s2], $0x15000  }
0x20: {  	[sflag:s2] =	ssyncset.done $0x0  }
0x21: {  	s16 =	sadd.s32 $0xFC00, s7;
	[sflag:s2] =	ssyncadd.s32 $0xFFFEB000  }
0x22: {  	[hbm4b:s16+s3] =	stream.linear.scatter [tilespmem:s3], [sflag:$0x2], $0x15000, $0x38;
	[tilespmem:$0x19080] =	vst v63  }
0x23: {  	_ =	swait.ge [sflag:s2], $0x15000  }
0x24: {  	[sflag:s2] =	ssyncset.done $0x0  }
0x25: {  	s17 =	sadd.s32 $0x12600, s7;
	[sflag:s2] =	ssyncadd.s32 $0xFFFEB000  }
0x26: {  	[hbm4b:s17+s3] =	stream.linear.scatter [tilespmem:s3], [sflag:$0x2], $0x15000, $0x38;
	[tilespmem:$0x19080] =	vst v63  }
0x27: {  	_ =	swait.ge [sflag:s2], $0x15000  }
0x28: {  	[sflag:s2] =	ssyncset.done $0x0  }
0x29: {  	s18 =	sadd.s32 $0x15000, s7;
	[sflag:s2] =	ssyncadd.s32 $0xFFFEB000  }
0x2a: {  	[hbm4b:s18+s3] =	stream.linear.scatter [tilespmem:s3], [sflag:$0x2], $0x15000, $0x38;
	[tilespmem:$0x19080] =	vst v63  }
0x2b: {  	_ =	swait.ge [sflag:s2], $0x15000  }
0x2c: {  	[sflag:s2] =	ssyncset.done $0x0  }
0x2d: {  	s19 =	sadd.s32 $0x17A00, s7;
	[sflag:s2] =	ssyncadd.s32 $0xFFFEB000  }
0x2e: {  	[hbm4b:s19+s3] =	stream.linear.scatter [tilespmem:s3], [sflag:$0x2], $0x15000, $0x38;
	[tilespmem:$0x19080] =	vst v63  }
0x2f: {  	_ =	swait.ge [sflag:s2], $0x15000  }
0x30: {  	[sflag:s2] =	ssyncset.done $0x0  }
0x31: {  	s20 =	sadd.s32 $0x1A400, s7;
	[sflag:s2] =	ssyncadd.s32 $0xFFFEB000  }
0x32: {  	[hbm4b:s20+s3] =	stream.linear.scatter [tilespmem:s3], [sflag:$0x2], $0x15000, $0x38;
	[tilespmem:$0x19080] =	vst v63  }
0x33: {  	_ =	swait.ge [sflag:s2], $0x15000  }
0x34: {  	[sflag:s2] =	ssyncset.done $0x0  }
0x35: {  	s21 =	sadd.s32 $0x1CE00, s7;
	[sflag:s2] =	ssyncadd.s32 $0xFFFEB000  }
0x36: {  	[hbm4b:s21+s3] =	stream.linear.scatter [tilespmem:s3], [sflag:$0x2], $0x15000, $0x38;
	[tilespmem:$0x19080] =	vst v63  }
0x37: {  	_ =	swait.ge [sflag:s2], $0x15000  }
0x38: {  	[sflag:s2] =	ssyncset.done $0x0  }
0x39: {  	s22 =	sadd.s32 $0x1F800, s7;
	[sflag:s2] =	ssyncadd.s32 $0xFFFEB000  }
0x3a: {  	[hbm4b:s22+s3] =	stream.linear.scatter [tilespmem:s3], [sflag:$0x2], $0x15000, $0x38;
	[tilespmem:$0x19080] =	vst v63  }
0x3b: {  	_ =	swait.ge [sflag:s2], $0x15000  }
0x3c: {  	[sflag:s2] =	ssyncset.done $0x0  }
0x3d: {  	s23 =	sadd.s32 $0x22200, s7;
	[sflag:s2] =	ssyncadd.s32 $0xFFFEB000  }
0x3e: {  	[hbm4b:s23+s3] =	stream.linear.scatter [tilespmem:s3], [sflag:$0x2], $0x15000, $0x38;
	[tilespmem:$0x19080] =	vst v63  }
0x3f: {  	_ =	swait.ge [sflag:s2], $0x15000  }
0x40: {  	[sflag:s2] =	ssyncset.done $0x0  }
0x41: {  	s24 =	sadd.s32 $0x24C00, s7;
	[sflag:s2] =	ssyncadd.s32 $0xFFFEB000  }
0x42: {  	[hbm4b:s24+s3] =	stream.linear.scatter [tilespmem:s3], [sflag:$0x2], $0x15000, $0x38;
	[tilespmem:$0x19080] =	vst v63  }
0x43: {  	_ =	swait.ge [sflag:s2], $0x15000  }
0x44: {  	[sflag:s2] =	ssyncset.done $0x0  }
0x45: {  	s25 =	sadd.s32 $0x27600, s7;
	[sflag:s2] =	ssyncadd.s32 $0xFFFEB000  }
0x46: {  	[hbm4b:s25+s3] =	stream.linear.scatter [tilespmem:s3], [sflag:$0x2], $0x15000, $0x38;
	[tilespmem:$0x19080] =	vst v63  }
0x47: {  	_ =	swait.ge [sflag:s2], $0x15000  }
0x48: {  	[sflag:s2] =	ssyncset.done $0x0  }
0x49: {  	s26 =	sadd.s32 $0x2A000, s7;
	[sflag:s2] =	ssyncadd.s32 $0xFFFEB000  }
0x4a: {  	[hbm4b:s26+s3] =	stream.linear.scatter [tilespmem:s3], [sflag:$0x2], $0x15000, $0x38;
	[tilespmem:$0x19080] =	vst v63  }
0x4b: {  	_ =	swait.ge [sflag:s2], $0x15000  }
0x4c: {  	[sflag:s2] =	ssyncset.done $0x0  }
0x4d: {  	s28 =	sadd.s32 $0x2CA00, s7;
	[sflag:s2] =	ssyncadd.s32 $0xFFFEB000  }
0x4e: {  	[hbm4b:s28+s3] =	stream.linear.scatter [tilespmem:s3], [sflag:$0x2], $0x15000, $0x38;
	[tilespmem:$0x19080] =	vst v63  }
0x4f: {  	_ =	swait.ge [sflag:s2], $0x15000  }
0x50: {  	[sflag:s2] =	ssyncset.done $0x0  }
0x51: {  	s29 =	sadd.s32 $0x2F400, s7;
	[sflag:s2] =	ssyncadd.s32 $0xFFFEB000  }
0x52: {  	[hbm4b:s29+s3] =	stream.linear.scatter [tilespmem:s3], [sflag:$0x2], $0x15000, $0x38;
	[tilespmem:$0x19080] =	vst v63  }
0x53: {  	_ =	swait.ge [sflag:s2], $0x15000  }
0x54: {  	[sflag:s2] =	ssyncset.done $0x0  }
0x55: {  	s30 =	smul.u32 $0x64000, s1;
	s7 =	sadd.s32 $0x31E00, s7;
	[sflag:s2] =	ssyncadd.s32 $0xFFFEB000  }
0x56: {  	[hbm4b:s7+s3] =	stream.linear.scatter [tilespmem:s3], [sflag:$0x2], $0x15000, $0x38;
	[tilespmem:$0x19080] =	vst v63  }
0x57: {  	s31 =	smul.u32 $0xC80, s1;
	_ =	swait.ge [sflag:s2], $0x15000  }
0x58: {  	[sflag:s2] =	ssyncset.done $0x0  }
0x59: {  	s6 =	sadd.s32 s30, s6;
	s8 =	sadd.s32 s31, s5;
	[sflag:s2] =	ssyncadd.s32 $0xFFFEB000  }
0x5a: {  	s5 =	simm.s32 $0x15000;
	s7 =	sadd.s32 $0x0, s8;
	[bflag:$0x0] =	sbarrier.arrive $0xFFFF  }
0x5b: {  	[tilespmem:s5], [sflag:$0x1] =	stream.linear.gather [hbm4b:s7+s3], $0x80, $0x38;
	[tilespmem:$0x19080] =	vst v63  }
0x5c: {  	s10 =	sadd.s32 $0x1991E00, s6;
	s6 =	simm.s32 $0x15080;
	s7 =	simm.s32 $0x1  }
0x5d: {  	[tilespmem:s6], [sflag:$0x1] =	stream.linear.gather [hbm4b:s10+s3], $0x4000, $0x38;
	[tilespmem:$0x19080] =	vst v63  }
0x5e: {  	_ =	swait.ge [sflag:s7], $0x80  }
0x5f: {  	[sflag:s7] =	ssyncset.done $0x0  }
0x60: {  	[sflag:s7] =	ssyncadd.s32 $0xFFFFFF80  }
0x61: {  	_ =	swait.ge [sflag:s7], $0x4000  }
0x62: {  	[sflag:s7] =	ssyncset.done $0x0  }
0x63: {  	s9 =	simm.s32 $0x80;
	[sflag:s7] =	ssyncadd.s32 $0xFFFFC000  }
0x64: {  	[hbm4b:s4+s9] =	stream.indirect.scatter [tilespmem:s6], [sflag:$0x2], $0x80, s5, s9, $0xb8;
	[tilespmem:$0x19080] =	vst v63  }
0x65: {  	s11 =	simm.s32 $0x10;
	_ =	swait.ge [sflag:s2], $0x4000  }
0x66: {  	s12 =	simm.s32 $0x20;
	s10 =	sadd.s32 $0x800, s10;
	[sflag:s2] =	ssyncset.done $0x0  }
.LBB2_1:
0x67: {  	s13 =	sadd.s32 s11, s8  }
0x68: {  	[sflag:s2] =	ssyncadd.s32 $0xFFFFC000;
	s11 =	smov.u32 s12;
	s14 =	sadd.s32 $0x10, s12  }
0x69: {  	[tilespmem:s5], [sflag:$0x1] =	stream.linear.gather [hbm4b:s13+s3], $0x80, $0x38;
	[tilespmem:$0x19080] =	vst v63  }
0x6a: {  	p0 =	sne.s32 s12, $0xC70  }
0x6b: {  	[tilespmem:s6], [sflag:$0x1] =	stream.linear.gather [hbm4b:s10+s3], $0x4000, $0x38;
	[tilespmem:$0x19080] =	vst v63  }
0x6c: {  	_ =	swait.ge [sflag:s7], $0x80  }
0x6d: {  	[sflag:s7] =	ssyncset.done $0x0  }
0x6e: {  	[sflag:s7] =	ssyncadd.s32 $0xFFFFFF80  }
0x6f: {  	_ =	swait.ge [sflag:s7], $0x4000  }
.Ltmp0:
0x70: {  	[sflag:s7] =	ssyncset.done $0x0;
	(pc) =	sbr.rel @p0 .LBB2_1-.Ltmp0, $4  }
0x71: {  	[sflag:s7] =	ssyncadd.s32 $0xFFFFC000  }
0x72: {  	[hbm4b:s4+s9] =	stream.indirect.scatter [tilespmem:s6], [sflag:$0x2], $0x80, s5, s9, $0xb8;
	[tilespmem:$0x19080] =	vst v63  }
0x73: {  	_ =	swait.ge [sflag:s2], $0x4000  }
0x74: {  	s12 =	smov.u32 s14;
	s10 =	sadd.s32 $0x800, s10;
	[sflag:s2] =	ssyncset.done $0x0  }
0x75: {  	s8 =	sadd.s32 s11, s8;
	[sflag:s2] =	ssyncadd.s32 $0xFFFFC000  }
0x76: {  	[tilespmem:s5], [sflag:$0x1] =	stream.linear.gather [hbm4b:s8+s3], $0x80, $0x38;
	[tilespmem:$0x19080] =	vst v63  }
0x77: {  	_ = 	snop  }
0x78: {  	[tilespmem:s6], [sflag:$0x1] =	stream.linear.gather [hbm4b:s10+s3], $0x4000, $0x38;
	[tilespmem:$0x19080] =	vst v63  }
0x79: {  	_ =	swait.ge [sflag:s7], $0x80  }
0x7a: {  	[sflag:s7] =	ssyncset.done $0x0  }
0x7b: {  	[sflag:s7] =	ssyncadd.s32 $0xFFFFFF80  }
0x7c: {  	_ =	swait.ge [sflag:s7], $0x4000  }
0x7d: {  	[sflag:s7] =	ssyncset.done $0x0  }
0x7e: {  	[sflag:s7] =	ssyncadd.s32 $0xFFFFC000  }
0x7f: {  	[hbm4b:s4+s9] =	stream.indirect.scatter [tilespmem:s6], [sflag:$0x2], $0x80, s5, s9, $0xb8;
	[tilespmem:$0x19080] =	vst v63  }
0x80: {  	_ =	swait.ge [sflag:s2], $0x4000  }
0x81: {  	[sflag:s2] =	ssyncset.done $0x0  }
0x82: {  	[sflag:s2] =	ssyncadd.s32 $0xFFFFC000  }
0x83: {  	_ =	sfence.sel $0x180000  }
0x84: {  	[bflag:$0x0] =	sbarrier.arrive $0xFFFF  }
0x85: {  	p0 =	sne.s32 s1, $0x0;
	_ =	strace $0x9000004D  }
0x86: {  	s0 =	sadd.s32 @!p0 $0x100000, s0;
	[bflag:$0x2] =	sbarrier.arrive $0xFFFF  }
0x87: {  	[sflag:s0] =	ssyncadd.tile.s32 @!p0 $0x1;
	_ =	shalt  }
.Lfunc_end2:
_tile_overlayer_lowered:
.L_overlay_start_2:
0x88: {  	(tag) =	ssettag $0x2  }
0x89: {  	s0 =	rddreg [dreg:$0x0];
	s2 =	stileid.u32  }
0x8a: {  	s1 =	rddreg [dreg:$0x1];
	p0 =	sne.s32 s2, $0x0  }
0x8b: {  	s3 =	rddreg [dreg:$0x2];
	[bflag:$0x3] =	sbarrier.arrive $0xFFFF;
	s2 =	simm.s32 @!p0 $0x1C02  }
0x8c: {  	[timem:s3], [sflag:s2] =	dma.local @!p0 [hbm:s0], s1  }
0x8d: {  	s0 =	simm.s32 @!p0 $0x2  }
0x8e: {  	_ =	swait.ge @!p0 [sflag:s0], s1  }
0x8f: {  	s1 =	ssub.s32 @!p0 $0x0, s1;
	[sflag:s0] =	ssyncset.done @!p0 $0x0  }
0x90: {  	[sflag:s0] =	ssyncadd.s32 @!p0 s1  }
0x91: {  	[bflag:$0x3] =	sbarrier.arrive $0xFFFF  }
0x92: {  	_ =	shalt  }

// kernel: sparse-core-data-format-call.cloned.1.call-start
scs
called_computation_lowered:
.L_overlay_start_0:
0x0: {  	s2 =	sld [smem:$0x3FD9]  }
0x1: {  	s3 =	sld [smem:$0x3FFE];
	_ =	sdelay $0x1  }
0x2: {  	s1 =	srdreg.scid  }
0x3: {  	s0 =	sand.u32 $0x1, s1  }
0x4: {  	s18 =	sshll.u32 s0, $0xA;
	s2 =	sadd.s32 s3, s2  }
0x5: {  	s2 =	sadd.s32 s2, s18  }
0x6: {  	[smem:$0x3FC1] =	sst s2  }
0x7: {  	_ = 	snop  }
0x8: {  	s2 =	sld [smem:$0x3FD0];
	(tm) =	ssettm $0x1  }
0x9: {  	s19 =	sld [smem:$0x3FFB];
	_ =	sdelay $0x3  }
0xa: {  	_ =	strace s19  }
0xb: {  	s3 =	sld [smem:$0x3FFC];
	_ =	sdelay $0x3  }
0xc: {  	_ =	strace s3  }
0xd: {  	s3 =	sld [smem:$0x3FFD];
	_ =	sdelay $0x3  }
0xe: {  	_ =	strace s3  }
0xf: {  	_ =	strace $0x8FFFFFFF  }
0x10: {  	s20 =	sld [smem:$0x3FDB];
	_ =	sdelay $0x1  }
0x11: {  	s4 =	simm.s32 $_scs_section_size  }
0x12: {  	s5 =	simm.s32 $_size__tile_overlayer_lowered;
	s6 =	simm.s32 $_tile_overlayer_lowered  }
0x13: {  	s23 =	simm.s32 $0x1BFF;
	s22 =	sshll.u32 s6, $0x1;
	s3 =	sadd.s32 s4, s20  }
0x14: {  	s7 =	simm.s32 $0x0;
	s21 =	sshll.u32 s5, $0x1;
	s5 =	sadd.s32 s22, s3  }
0x15: {  	[timem:s7], [sflag:s23] =	dma.local [hbm:s5], s21  }
0x16: {  	_ =	swait.ge [sflag:s23], s21  }
0x17: {  	s4 =	ssub.s32 $0x0, s21;
	[sflag:s23] =	ssyncset.done $0x0  }
0x18: {  	[sflag:s23] =	ssyncadd.s32 s4;
	_ =	sdelay $0x1  }
0x19: {  	s24 =	simm.s32 $0x1B8B  }
0x1a: {  	_ =	swait.ge [sflag:s24], $0x1  }
0x1b: {  	[sflag:s24] =	ssyncset.done $0x0  }
0x1c: {  	s26 =	simm.s32 $0x1B8E;
	s25 =	sld [smem:$0x3FFE];
	[sflag:s24] =	ssyncadd.s32 $0xFFFFFFFF  }
0x1d: {  	s27 =	simm.s32 $execute0_lowered;
	[smem:$0x3FD2] =	sst s26  }
0x1e: {  	s5 =	sshll.u32 s27, $0x1;
	_ =	strace $0x8000004F;
	[dreg:$0x1] =	wrdreg $0xFFFFFFFF  }
0x1f: {  	s28 =	simm.s32 $_size_execute0_lowered;
	s3 =	sadd.s32 s3, s5;
	[dreg:$0x0] =	wrdreg $0x0  }
0x20: {  	s5 =	sshll.u32 s28, $0x1;
	[dreg:$0x2] =	wrdreg s3  }
0x21: {  	[dreg:$0x3] =	wrdreg s5  }
0x22: {  	[dreg:$0x4] =	wrdreg $0xC0  }
0x23: {  	_ =	task [dreg:s7], $0x5FFFF  }
0x24: {  	[dreg:$0x1] =	wrdreg $0xFFFFFFFF  }
0x25: {  	[dreg:$0x0] =	wrdreg $0x60  }
0x26: {  	[dreg:$0x2] =	wrdreg s25  }
0x27: {  	[dreg:$0x3] =	wrdreg s2  }
0x28: {  	[dreg:$0x4] =	wrdreg $0x9  }
0x29: {  	_ =	task.clear_ibuf [dreg:s7], $0x5FFFF;
	_ =	strace $0x9000004F  }
0x2a: {  	s29 =	simm.s32 $0x9;
	_ =	strace $0x80000051  }
0x2b: {  	_ =	swait.ge [sflag:s29], $0x1  }
0x2c: {  	[sflag:s29] =	ssyncadd.s32 $0xFFFFFFFF  }
0x2d: {  	_ =	strace $0x90000051  }
0x2e: {  	_ =	sfence  }
0x2f: {  	s30 =	sld [smem:$0x0];
	_ =	sdelay $0x2  }
0x30: {  	s31 =	sshll.u32 s1, $0xD;
	s1 =	sshrl.u32 s1, $0x2  }
0x31: {  	s3 =	sand.u32 $0x4000, s31;
	s1 =	sadd.s32 s1, s30  }
0x32: {  	s0 =	sor.u32 s3, s0;
	s1 =	sshll.u32 s1, $0x11  }
0x33: {  	s0 =	sor.u32 s1, s0  }
0x34: {  	s0 =	sadd.s32 $0x8F2B, s0  }
0x35: {  	[sflag:s0] =	ssyncadd.remote.s32 $0x1  }
0x36: {  	_ =	sfence.sel $0xFFFF  }
0x37: {  	[dreg:$0x0] =	wrdreg $0xFFFFFFFF;
	(pc) =	sbr.abs _section_cstart, $3  }
0x38: {  	[dreg:$0x1] =	wrdreg $0xFFFFFFFF  }
0x39: {  	_ =	task.clear_ibuf [dreg:s7], $0x2FFFF;
	_ =	strace $0x9FFFFFFF  }
0x3a: {  	(tm) =	ssettm $0x7FFFFFFF  }
0x3b: {  	_ =	shalt  }
tec
execute0_lowered:
.L_overlay_start_1:
0x0: {  	(tag) =	ssettag $0x1  }
0x1: {  	s4 =	rddreg [dreg:$0x0]  }
0x2: {  	s0 =	srdreg.scid;
	s2 =	rddreg [dreg:$0x1]  }
0x3: {  	s7 =	simm.s32 $0x2;
	s16 =	simm.s32 $0x0;
	p0 =	por $0x0, $0x0  }
0x4: {  	s10 =	simm.s32 $0xD800;
	s14 =	simm.s32 $0x0;
	s15 =	simm.s32 $0x0  }
0x5: {  	s11 =	simm.s32 $0x0;
	s1 =	sshll.u32 s0, $0x7;
	s0 =	rddreg [dreg:$0x2]  }
0x6: {  	_ =	strace $0x80000050;
	s3 =	sand.u32 $0x80, s1;
	s1 =	stileid.u32  }
.Ltmp0:
0x7: {  	s5 =	sshll.u32 s3, $0x4;
	s9 =	smax.u32 s3, $0x78;
	(pc) =	sbr.rel .LBB1_1-.Ltmp0, $4  }
0x8: {  	s6 =	sshrl.u32 s1, $0x2;
	s8 =	sadd.s32 s5, s4;
	s4 =	sand.u32 $0x3, s1  }
0x9: {  	s5 =	simm.s32 $0x1;
	s31 =	sshll.u32 s9, $0x6;
	s9 =	simm.s32 $0x80  }
0xa: {  	s12 =	smov.u32 s6;
	[sflag:s5] =	ssyncpa.u1 $0x0;
	s8 =	sadd.s32 $0x34AA00, s8  }
0xb: {  	s13 =	smov.u32 s4;
	[sflag:s7] =	ssyncpa.u1 $0x0;
	s7 =	sxor.u32 $0x3E00, s31  }
.LBB1_5:
0xc: {  	s17 =	sadd.s32 $0x4, s12  }
0xd: {  	s14 =	sadd.s32 $0x4, s13;
	s18 =	smov.u32 s13;
	p2 =	sgt.s32 s17, $0xD7  }
0xe: {  	p1 =	slt.u32 s11, $0x2;
	s18 =	smov.u32 @p2 s14  }
0xf: {  	s11 =	sadd.s32 $0x1, s11;
	s17 =	smov.u32 @p2 s6;
	p2 =	sgt.s32 s18, $0x3  }
0x10: {  	s18 =	smov.u32 @p2 s4;
	p2 =	sne.s32 s11, $0x38  }
.Ltmp1:
0x11: {  	_ = 	snop;
	(pc) =	sbr.rel @!p2 .LBB1_6-.Ltmp1, $4  }
0x12: {  	s16 =	simm.s32 @!p1 $0x2  }
0x13: {  	s15 =	smov.u32 s13;
	p0 =	por !p0, !p0;
	_ =	swait.ge @!p1 [sflag:s16], $0x2000  }
0x14: {  	s14 =	smov.u32 s12;
	[sflag:s16] =	ssyncset.done @!p1 $0x0;
	s12 =	smov.u32 s17  }
0x15: {  	[sflag:s16] =	ssyncadd.s32 @!p1 $0xFFFFE000;
	s16 =	smov.u32 s3;
	s13 =	smov.u32 s18  }
.LBB1_1:
0x16: {  	p1 =	sgt.u32 s11, $0x35  }
0x17: {  	s17 =	smov.u32 s13;
	p2 =	sgt.s32 @!p1 s13, $0x3  }
0x18: {  	s18 =	sshra.s32 @!p1 s13, $0x1F;
	s19 =	sshra.s32 @!p1 s12, $0x1F;
	p2 =	por !p2, p1  }
0x19: {  	s18 =	sand.u32 @!p1 s18, s13;
	s17 =	simm.s32 @p2 $0x3;
	p2 =	sgt.s32 @!p1 s12, $0xD7  }
0x1a: {  	s17 =	ssub.s32 @!p1 s17, s18;
	p2 =	por !p2, p1;
	s18 =	smov.u32 s12  }
0x1b: {  	s19 =	sand.u32 @!p1 s19, s12;
	s20 =	sadd.s32 @!p1 $0xFFFFFFFD, s17;
	s18 =	simm.s32 @p2 $0xD7  }
0x1c: {  	p2 =	sgt.s32 @!p1 s20, $0x0;
	s18 =	ssub.s32 @!p1 s18, s19  }
0x1d: {  	s17 =	ssub.s32 @!p1 $0x4, s17;
	p2 =	por !p2, p1;
	s19 =	sadd.s32 @!p1 $0xFFFFFF29, s18  }
0x1e: {  	s17 =	simm.s32 @!p2 $0x0;
	p2 =	sgt.s32 @!p1 s19, $0x0;
	s19 =	smul.u32 @!p1 $0xD1400, s13  }
0x1f: {  	s18 =	ssub.s32 @!p1 $0xD8, s18;
	p2 =	por !p2, p1;
	s17 =	smul.u32 @!p1 s17, s7  }
0x20: {  	s20 =	smul.u32 @!p1 $0xF80, s12;
	s18 =	simm.s32 @!p2 $0x0  }
0x21: {  	s19 =	sadd.s32 @!p1 s19, s8;
	s17 =	smul.u32 @!p1 s18, s17;
	s18 =	sxor.u32 @!p1 $0xFFFFFFFF, s11  }
0x22: {  	s21 =	simm.s32 @!p1 $0x80;
	s19 =	sadd.s32 @!p1 s20, s19;
	s18 =	sshll.u32 @!p1 s18, $0xD  }
0x23: {  	s20 =	simm.s32 @!p1 $0x40;
	s18 =	sand.u32 @!p1 $0x2000, s18;
	s17 =	sand.u32 @!p1 $0x3FFFFE00, s17  }
0x24: {  	[tilespmem:s18], [sflag:$0x1] =	stream.strided.gather @!p1 [hbm4b:s19+s20], s17, s21, s20, $0x38;
	[tilespmem:$0x8080] =	vst v63  }
0x25: {  	p1 =	seq.s32 s11, $0x0  }
0x26: {  	p2 =	seq.s32 @!p1 s11, $0x37  }
0x27: {  	p1 =	por p1, p2  }
.Ltmp2:
0x28: {  	_ = 	snop;
	(pc) =	sbr.rel @p1 .LBB1_5-.Ltmp2, $1  }
0x29: {  	_ =	sdelay $0x3  }
0x2a: {  	p1 =	sgt.s32 s15, $0x3  }
0x2b: {  	s17 =	smov.u32 s15;
	s18 =	sshra.s32 s15, $0x1F;
	s19 =	smov.u32 s14  }
0x2c: {  	s20 =	sshra.s32 s14, $0x1F;
	s21 =	smov.u32 s16;
	s17 =	simm.s32 @!p1 $0x3  }
0x2d: {  	s18 =	sand.u32 s18, s15;
	p1 =	sgt.s32 s14, $0xD7;
	s24 =	sand.u32 s20, s14  }
0x2e: {  	s17 =	ssub.s32 s17, s18;
	s19 =	simm.s32 @!p1 $0xD7;
	p1 =	sgt.s32 s16, $0x78  }
0x2f: {  	s18 =	sadd.s32 $0xFFFFFFFD, s17;
	s21 =	simm.s32 @!p1 $0x78;
	s17 =	ssub.s32 $0x4, s17  }
0x30: {  	p1 =	sgt.s32 s18, $0x0;
	s18 =	ssub.s32 s19, s24;
	s25 =	sshll.u32 s21, $0x6  }
0x31: {  	s17 =	simm.s32 @p1 $0x0;
	s26 =	sadd.s32 $0xFFFFFF29, s18;
	s19 =	ssub.s32 $0x3E00, s25  }
0x32: {  	s18 =	ssub.s32 $0xD8, s18;
	p1 =	sgt.s32 s26, $0x0;
	s17 =	smul.u32 s17, s19  }
0x33: {  	s18 =	simm.s32 @p1 $0x0  }
0x34: {  	s17 =	smul.u32 s18, s17;
	_ =	sdelay $0x1  }
0x35: {  	s18 =	simm.s32 $0x1;
	s17 =	sand.u32 $0x3FFFFFC0, s17  }
0x36: {  	s18 =	simm.s32 @!p0 $0x0;
	_ =	swait.ge [sflag:s5], s17  }
0x37: {  	s27 =	sshll.u32 s18, $0xD;
	s17 =	ssub.s32 $0x0, s17;
	[sflag:s5] =	ssyncset.done $0x0  }
0x38: {  	s28 =	sor.u32 $0x20, s27;
	[sflag:s5] =	ssyncadd.s32 s17  }
0x39: {  	s29 =	smul.u32 $0x8100, s18;
	v3 =	vld [tilespmem:s28+$0x10]  }
0x3a: {  	s30 =	sand.u32 $0x1, s11;
	v2 =	vld [tilespmem:s28+$0xFFFFFFF0]  }
0x3b: {  	s18 =	smul.u32 $0x8100, s30;
	s17 =	sshrl.u32 s29, $0x2;
	v0 =	vld [tilespmem:s28+$0x0]  }
0x3c: {  	s19 =	sor.u32 $0x4000, s17;
	v1 =	vld [tilespmem:s28+$0xFFFFFFE0]  }
0x3d: {  	s31 =	sshrl.u32 s18, $0x2;
	s18 =	sadd.s32 $0x0, s19  }
0x3e: {  	s20 =	simm.s32 $0x4;
	s21 =	sadd.s32 $0x40, s28;
	s17 =	sor.u32 $0x4000, s31;
	[tilespmem:s18+$0x1830 ss:$0x81] =	vst.msk $0xffff, v3  }
.LBB1_3:
0x3f: {  	v3 =	vld [tilespmem:s21+$0x10];
	p1 =	sne.s32 s20, $0x1FC;
	[tilespmem:s18+$0x810 ss:$0x81] =	vst.msk $0xffff, v2;
	s22 =	smov.u32 s20;
	s20 =	sadd.s32 $0x4, s20  }
.Ltmp3:
0x40: {  	v2 =	vld [tilespmem:s21+$0xFFFFFFF0];
	[tilespmem:s18+$0x1020 ss:$0x81] =	vst.msk $0xffff, v0;
	(pc) =	sbr.rel @p1 .LBB1_3-.Ltmp3, $4  }
0x41: {  	v0 =	vld [tilespmem:s21+$0x0];
	[tilespmem:s18+$0x0 ss:$0x81] =	vst.msk $0xffff, v1  }
0x42: {  	s18 =	sshra.s32 s22, $0x2;
	v1 =	vld [tilespmem:s21+$0xFFFFFFE0]  }
0x43: {  	s18 =	sadd.s32 s18, s19  }
0x44: {  	s21 =	sadd.s32 $0x40, s21;
	[tilespmem:s18+$0x1830 ss:$0x81] =	vst.msk $0xffff, v3  }
0x45: {  	s19 =	sshll.u32 s14, $0x8  }
0x46: {  	s16 =	sshll.u32 s16, $0x3;
	s20 =	sshll.u32 s14, $0x7;
	s19 =	sand.u32 $0xFFFFF800, s19  }
0x47: {  	s29 =	sand.u32 $0x300, s20;
	s16 =	sor.u32 s16, s19  }
0x48: {  	s16 =	sor.u32 s29, s16  }
0x49: {  	s16 =	sshrl.u32 s16, $0x8  }
0x4a: {  	s30 =	smulhi.u32 $0x12F684C, s16  }
0x4b: {  	s15 =	smul.u32 $0x6C000, s15  }
0x4c: {  	s19 =	smul.u32 $0xD8, s30  }
.Ltmp4:
0x4d: {  	s31 =	sshll.u32 s14, $0x4;
	(pc) =	sbr.rel .LBB1_5-.Ltmp4, $4  }
0x4e: {  	[tilespmem:s18+$0x810 ss:$0x81] =	vst.msk $0xffff, v2;
	s14 =	sand.u32 $0x10, s31;
	s15 =	sadd.s32 s2, s15;
	s16 =	ssub.s32 s16, s19  }
0x4f: {  	[tilespmem:s18+$0x1020 ss:$0x81] =	vst.msk $0xffff, v0;
	s14 =	sadd.s32 s14, s15;
	s16 =	sshll.u32 s16, $0x5  }
0x50: {  	[tilespmem:s18+$0x0 ss:$0x81] =	vst.msk $0xffff, v1;
	s14 =	sadd.s32 s16, s14  }
0x51: {  	[hbm4b:s14+s9] =	stream.strided.scatter [tilespmem:s17], [sflag:$0x2], $0x2000, s10, s9, $0x20;
	[tilespmem:$0x8080] =	vst v63  }
.LBB1_6:
0x52: {  	_ =	sfence.sel $0x180000  }
0x53: {  	s2 =	simm.s32 $0x1;
	[bflag:$0x0] =	sbarrier.arrive $0xFFFF  }
0x54: {  	s31 =	simm.s32 $0x2;
	[sflag:s2] =	ssyncpa.u1 $0x1  }
0x55: {  	[sflag:s31] =	ssyncpa.u1 $0x1  }
0x56: {  	p0 =	sne.s32 s1, $0x0;
	_ =	strace $0x90000050  }
0x57: {  	s0 =	sadd.s32 @!p0 $0x100000, s0;
	[bflag:$0x2] =	sbarrier.arrive $0xFFFF  }
0x58: {  	[sflag:s0] =	ssyncadd.tile.s32 @!p0 $0x1;
	_ =	shalt  }
.Lfunc_end1:
_tile_overlayer_lowered:
.L_overlay_start_2:
0x59: {  	(tag) =	ssettag $0x2  }
0x5a: {  	s0 =	rddreg [dreg:$0x0];
	s2 =	stileid.u32  }
0x5b: {  	s1 =	rddreg [dreg:$0x1];
	p0 =	sne.s32 s2, $0x0  }
0x5c: {  	s3 =	rddreg [dreg:$0x2];
	[bflag:$0x3] =	sbarrier.arrive $0xFFFF;
	s2 =	simm.s32 @!p0 $0x1C01  }
0x5d: {  	[timem:s3], [sflag:s2] =	dma.local @!p0 [hbm:s0], s1  }
0x5e: {  	s0 =	simm.s32 @!p0 $0x1  }
0x5f: {  	_ =	swait.ge @!p0 [sflag:s0], s1  }
0x60: {  	s1 =	ssub.s32 @!p0 $0x0, s1;
	[sflag:s0] =	ssyncset.done @!p0 $0x0  }
0x61: {  	[sflag:s0] =	ssyncadd.s32 @!p0 s1  }
0x62: {  	[bflag:$0x3] =	sbarrier.arrive $0xFFFF  }
0x63: {  	_ =	shalt  }

</sc_bundles>
